<compile_context>
chip_gen: v7x
topology: tpu7x:2x2x1
jax: 0.10.2.dev20260603
libtpu: 0.0.44.dev20260713+nightly
codegen_flags: <defaults>
</compile_context>

<pallas_src>
import functools

import jax
import jax.numpy as jnp
from jax import lax
from jax.experimental import pallas as pl
from jax.experimental.pallas import tpu as pltpu
from jax.experimental.pallas import tpu_sc as plsc

N = 50000
V = 5143
W = 8
LD = 32
K = 9

TN = 200
VPAD = 5248
NW = 32
GROWS = N * K
CHUNK = 128
NCH = 110
GPAD = NW * NCH * CHUNK
PB = TN * K


def _knn_body(means_ref, ct_ref, c2_ref, vpt_ref, cvpt_ref, lat_ref, can_ref,
              idx_ref, tab_ref):
    i = pl.program_id(0)

    @pl.when(i == 0)
    def _():
        tab_ref[:, 0:24] = vpt_ref[...] - cvpt_ref[...]
        tab_ref[:, 24:56] = lat_ref[...]
        tab_ref[:, 56:59] = can_ref[...]
        tab_ref[:, 59:128] = jnp.zeros((V, 69), jnp.float32)

    m = means_ref[...]
    cross = lax.dot_general(m, ct_ref[...], (((1,), (0,)), ((), ())),
                            preferred_element_type=jnp.float32)
    s = c2_ref[...] - 2.0 * cross
    iota = lax.broadcasted_iota(jnp.int32, (TN, VPAD), 1)
    inf = jnp.float32(jnp.inf)
    for k in range(K):
        idxk = jnp.argmin(s, axis=1).astype(jnp.int32)[:, None]
        idx_ref[:, k:k + 1] = idxk
        if k + 1 < K:
            s = jnp.where(iota == idxk, inf, s)


def _tc_knn(means, ct, c2, vpt, cvpt, latents, canon0):
    grid = N // TN
    return pl.pallas_call(
        _knn_body,
        grid=(grid,),
        in_specs=[
            pl.BlockSpec((TN, 3), lambda i: (i, 0)),
            pl.BlockSpec((3, VPAD), lambda i: (0, 0)),
            pl.BlockSpec((1, VPAD), lambda i: (0, 0)),
            pl.BlockSpec((V, 24), lambda i: (0, 0)),
            pl.BlockSpec((V, 24), lambda i: (0, 0)),
            pl.BlockSpec((V, LD), lambda i: (0, 0)),
            pl.BlockSpec((V, 3), lambda i: (0, 0)),
        ],
        out_specs=[
            pl.BlockSpec((TN, K), lambda i: (i, 0)),
            pl.BlockSpec((V, 128), lambda i: (0, 0)),
        ],
        out_shape=[
            jax.ShapeDtypeStruct((N, K), jnp.int32),
            jax.ShapeDtypeStruct((V, 128), jnp.float32),
        ],
    )(means, ct, c2, vpt, cvpt, latents, canon0)


def _sc_gather(idx3, tab):
    mesh = plsc.VectorSubcoreMesh(core_axis_name="c", subcore_axis_name="s")

    @functools.partial(
        pl.kernel,
        out_type=jax.ShapeDtypeStruct((NW, NCH, CHUNK, 128), jnp.float32),
        mesh=mesh,
        scratch_types=[
            pltpu.VMEM((NCH, CHUNK), jnp.int32),
            pltpu.VMEM((CHUNK, 128), jnp.float32),
            pltpu.VMEM((CHUNK, 128), jnp.float32),
            pltpu.SemaphoreType.DMA,
            pltpu.SemaphoreType.DMA,
        ],
    )
    def k(idx_hbm, tab_hbm, got_hbm, idx_v, va, vb, sem_a, sem_b):
        wid = lax.axis_index("s") * 2 + lax.axis_index("c")
        pltpu.sync_copy(idx_hbm.at[wid], idx_v)

        pltpu.async_copy(tab_hbm.at[idx_v.at[0]], va, sem_a)

        @pl.loop(0, NCH, step=2)
        def _(c):
            cb = pltpu.async_copy(tab_hbm.at[idx_v.at[c + 1]], vb, sem_b)
            pltpu.make_async_copy(tab_hbm.at[idx_v.at[c]], va, sem_a).wait()
            pltpu.sync_copy(va, got_hbm.at[wid, c])

            @pl.when(c + 2 < NCH)
            def _():
                pltpu.async_copy(tab_hbm.at[idx_v.at[c + 2]], va, sem_a)

            cb.wait()
            pltpu.sync_copy(vb, got_hbm.at[wid, c + 1])

    return k(idx3, tab)


def _post_body(g_ref, m_ref, mo_ref, la_ref, di_ref):
    g = g_ref[...]
    mo_ref[...] = g[:, 0:24]
    la_ref[...] = g[:, 24:56]
    m = m_ref[...]
    m9 = jnp.broadcast_to(m[:, None, :], (TN, K, 3)).reshape(PB, 3)
    dx = g[:, 56:57] - m9[:, 0:1]
    dy = g[:, 57:58] - m9[:, 1:2]
    dz = g[:, 58:59] - m9[:, 2:3]
    di_ref[...] = jnp.sqrt(dx * dx + dy * dy + dz * dz + 1e-12)


def _tc_post(flat, means):
    grid = GROWS // PB
    return pl.pallas_call(
        _post_body,
        grid=(grid,),
        in_specs=[
            pl.BlockSpec((PB, 128), lambda i: (i, 0)),
            pl.BlockSpec((TN, 3), lambda i: (i, 0)),
        ],
        out_specs=[
            pl.BlockSpec((PB, 24), lambda i: (i, 0)),
            pl.BlockSpec((PB, LD), lambda i: (i, 0)),
            pl.BlockSpec((PB, 1), lambda i: (i, 0)),
        ],
        out_shape=[
            jax.ShapeDtypeStruct((GROWS, 24), jnp.float32),
            jax.ShapeDtypeStruct((GROWS, LD), jnp.float32),
            jax.ShapeDtypeStruct((GROWS, 1), jnp.float32),
        ],
    )(flat, means)


def kernel(means, vertex_positions, canonical_vertex_positions, latents_table):
    canon0 = canonical_vertex_positions[0]
    ct = jnp.pad(canon0.T, ((0, 0), (0, VPAD - V)))
    c2 = jnp.sum(canon0 * canon0, axis=1)
    c2 = jnp.pad(c2, (0, VPAD - V), constant_values=1e30)[None, :]
    vpt = jnp.transpose(vertex_positions, (1, 0, 2)).reshape(V, W * 3)
    cvpt = jnp.transpose(canonical_vertex_positions, (1, 0, 2)).reshape(V, W * 3)

    idx, tab = _tc_knn(means, ct, c2, vpt, cvpt, latents_table, canon0)

    idx3 = jnp.pad(idx.reshape(-1), (0, GPAD - GROWS)).reshape(NW, NCH, CHUNK)
    got = _sc_gather(idx3, tab)

    flat = got.reshape(GPAD, 128)
    mo, la, di = _tc_post(flat, means)

    knn_motion = mo.reshape(N, K, W * 3)
    knn_latents = la.reshape(N, K, LD)
    knn_dists = di.reshape(N, K, 1)
    return knn_motion, knn_latents, knn_dists

# --- scband reference (transcript-rebuilt; emitter-appended) ---
"""Pipeline reference for scband-flame-latents-11295763988789 (READ-ONLY COPY).

The authoritative reference and input builder live on the scoring server;
editing this copy changes nothing except your own understanding.
"""

import jax, jax.numpy as jnp
import numpy as np

N_GAUSSIANS = 50000
N_VERTICES = 5143
WINDOW_SIZE = 8
LATENT_DIM = 32
K = 9  # receptive_field


def setup_inputs(seed: int = 0) -> dict:
    key = jax.random.key(seed)
    k1, k2, k3, k4 = jax.random.split(key, 4)
    means = jax.random.normal(k1, (N_GAUSSIANS, 3), dtype=jnp.float32)
    # vertex_positions stands in for self.flame_head.forward(flame_params),
    # repeated over the window: [window_size, n_vertices, 3]
    vertex_positions = jax.random.normal(k2, (WINDOW_SIZE, N_VERTICES, 3), dtype=jnp.float32)
    # canonical_vertex_positions buffer: [window_size, n_vertices, 3] (same canonical
    # positions repeated over window, but we allow arbitrary values)
    canonical_vertex_positions = jax.random.normal(k3, (WINDOW_SIZE, N_VERTICES, 3), dtype=jnp.float32)
    # nn.Embedding(n_vertices, flame_latent_dim) weight
    latents_table = jax.random.normal(k4, (N_VERTICES, LATENT_DIM), dtype=jnp.float32)
    return {
        "means": means,
        "vertex_positions": vertex_positions,
        "canonical_vertex_positions": canonical_vertex_positions,
        "latents_table": latents_table,
    }


def reference(means, vertex_positions, canonical_vertex_positions, latents_table):
    # --- knn(means) against canonical vertex positions (window dim is a repeat,
    # so use slice 0 as the key set) ---
    canon0 = canonical_vertex_positions[0]  # [V, 3]
    # squared euclidean distances [N, V]
    d2 = (
        jnp.sum(means * means, axis=1, keepdims=True)
        - 2.0 * (means @ canon0.T)
        + jnp.sum(canon0 * canon0, axis=1)[None, :]
    )
    _, knn_indices = jax.lax.top_k(-d2, K)  # [N, K]

    # --- vertex motion over the window ---
    vertex_motion = vertex_positions - canonical_vertex_positions  # [W, V, 3]
    # flatten window*xyz per vertex -> [V, W*3]
    motion_per_vertex = jnp.transpose(vertex_motion, (1, 0, 2)).reshape(N_VERTICES, WINDOW_SIZE * 3)

    # --- gather per-gaussian knn quantities ---
    knn_motion = jnp.take(motion_per_vertex, knn_indices, axis=0)  # [N, K, W*3]
    knn_latents = jnp.take(latents_table, knn_indices, axis=0)  # [N, K, latent_dim]
    diff = means[:, None, :] - jnp.take(canon0, knn_indices, axis=0)  # [N, K, 3]
    knn_dists = jnp.sqrt(jnp.sum(diff * diff, axis=-1, keepdims=True) + 1e-12)  # [N, K, 1]
    return knn_motion, knn_latents, knn_dists

if __name__ == "__main__":
    import jax
    _d = setup_inputs()
    print(jax.jit(kernel)(*tuple(_d.values())))

</pallas_src>

<mosaic_0001>
#map = affine_map<(d0, d1) -> (0, 0, 0)>
#map1 = affine_map<(d0, d1) -> (0, 0)>
#map2 = affine_map<(d0, d1) -> (0, 0, 0, 0)>
module attributes {stable_mosaic.version = 14 : i64} {
  func.func @k(%arg0: i32, %arg1: i32, %arg2: memref<32x110x128xi32, #tpu.memory_space<hbm>>, %arg3: memref<5143x128xf32, #tpu.memory_space<hbm>>, %arg4: memref<32x110x128x128xf32, #tpu.memory_space<hbm>>, %arg5: memref<110x128xi32, #tpu.memory_space<vmem>>, %arg6: memref<128x128xf32, #tpu.memory_space<vmem>>, %arg7: memref<128x128xf32, #tpu.memory_space<vmem>>, %arg8: memref<!tpu.dma_semaphore, #tpu.memory_space<semaphore_mem>>, %arg9: memref<!tpu.dma_semaphore, #tpu.memory_space<semaphore_mem>>) attributes {dimension_semantics = [#tpu.dimension_semantics<core_parallel>, #tpu.dimension_semantics<subcore_parallel>], iteration_bounds = array<i64: 2, 16>, scalar_prefetch = 0 : i64, scratch_operands = 5 : i64, tpu.core_type = #tpu.core_type<sc_vector_subcore>, window_params = [{transform_indices = #map}, {transform_indices = #map1}, {transform_indices = #map2}]} {
    %mul3A = arith.constant 2 : i32
    %mul3A_0 = arith.muli %arg1, %mul3A : i32
    %add3A = arith.addi %mul3A_0, %arg0 : i32
    "tpu.region"() ({
      %run_scoped3A = tpu.sem_alloc : memref<!tpu.dma_semaphore, #tpu.memory_space<semaphore_mem>>
      %dma_start3A_11 = arith.constant 0 : i32
      %dma_start3A_12 = arith.constant 0 : i32
      %dma_start3A_13 = tpu.memref_slice %arg2[%add3A, %dma_start3A_11, %dma_start3A_12] : memref<32x110x128xi32, #tpu.memory_space<hbm>> -> memref<1x110x128xi32, #tpu.memory_space<hbm>>
      %dma_start3A_14 = tpu.memref_squeeze %dma_start3A_13 : memref<1x110x128xi32, #tpu.memory_space<hbm>> -> memref<110x128xi32, #tpu.memory_space<hbm>>
      %dma_start3A_15 = arith.constant 0 : i32
      %dma_start3A_16 = arith.constant 0 : i32
      %dma_start3A_17 = tpu.memref_slice %arg2[%add3A, %dma_start3A_15, %dma_start3A_16] : memref<32x110x128xi32, #tpu.memory_space<hbm>> -> memref<1x110x128xi32, #tpu.memory_space<hbm>>
      %dma_start3A_18 = tpu.memref_squeeze %dma_start3A_17 : memref<1x110x128xi32, #tpu.memory_space<hbm>> -> memref<110x128xi32, #tpu.memory_space<hbm>>
      tpu.enqueue_dma source(%dma_start3A_18 : memref<110x128xi32, #tpu.memory_space<hbm>>) target(%arg5 : memref<110x128xi32, #tpu.memory_space<vmem>>) target_semaphore(%run_scoped3A : memref<!tpu.dma_semaphore, #tpu.memory_space<semaphore_mem>>)
      %dma_wait3A = arith.constant 0 : i32
      %dma_wait3A_19 = arith.constant 0 : i32
      %dma_wait3A_20 = tpu.memref_slice %arg2[%add3A, %dma_wait3A, %dma_wait3A_19] : memref<32x110x128xi32, #tpu.memory_space<hbm>> -> memref<1x110x128xi32, #tpu.memory_space<hbm>>
      %dma_wait3A_21 = tpu.memref_squeeze %dma_wait3A_20 : memref<1x110x128xi32, #tpu.memory_space<hbm>> -> memref<110x128xi32, #tpu.memory_space<hbm>>
      %dma_wait3A_22 = arith.constant 0 : i32
      %dma_wait3A_23 = arith.constant 0 : i32
      %dma_wait3A_24 = tpu.memref_slice %arg2[%add3A, %dma_wait3A_22, %dma_wait3A_23] : memref<32x110x128xi32, #tpu.memory_space<hbm>> -> memref<1x110x128xi32, #tpu.memory_space<hbm>>
      %dma_wait3A_25 = tpu.memref_squeeze %dma_wait3A_24 : memref<1x110x128xi32, #tpu.memory_space<hbm>> -> memref<110x128xi32, #tpu.memory_space<hbm>>
      tpu.wait_dma2 semaphore(%run_scoped3A : memref<!tpu.dma_semaphore, #tpu.memory_space<semaphore_mem>>) src(%dma_wait3A_25 : memref<110x128xi32, #tpu.memory_space<hbm>>) dst(%arg5 : memref<110x128xi32, #tpu.memory_space<vmem>>)
      tpu.yield
    }) : () -> ()
    %dma_start3A = arith.constant 0 : i32
    %dma_start3A_1 = arith.constant 0 : i32
    %dma_start3A_2 = tpu.memref_slice %arg5[%dma_start3A, %dma_start3A_1] : memref<110x128xi32, #tpu.memory_space<vmem>> -> memref<1x128xi32, #tpu.memory_space<vmem>>
    %dma_start3A_3 = tpu.memref_squeeze %dma_start3A_2 : memref<1x128xi32, #tpu.memory_space<vmem>> -> memref<128xi32, #tpu.memory_space<vmem>>
    %dma_start3A_4 = arith.constant 0 : i32
    %dma_start3A_5 = arith.constant 0 : i32
    %dma_start3A_6 = tpu.memref_slice %arg3[%dma_start3A_4, %dma_start3A_5] : memref<5143x128xf32, #tpu.memory_space<hbm>> -> memref<5143x128xf32, #tpu.memory_space<hbm>>
    tpu.enqueue_indirect_dma source(%dma_start3A_6 : memref<5143x128xf32, #tpu.memory_space<hbm>>) target(%arg6 : memref<128x128xf32, #tpu.memory_space<vmem>>) offsets(%dma_start3A_3 : memref<128xi32, #tpu.memory_space<vmem>>) semaphore(%arg8 : memref<!tpu.dma_semaphore, #tpu.memory_space<semaphore_mem>>)
    %scan3A = arith.constant 0 : i32
    %scan3A_7 = arith.constant 55 : i32
    %scan3A_8 = arith.addi %scan3A, %scan3A_7 : i32
    %scan3A_9 = arith.constant 1 : i32
    scf.for %scan3A_11 = %scan3A to %scan3A_8 step %scan3A_9  : i32 {
      %mul3A_12 = arith.constant 2 : i32
      %mul3A_13 = arith.muli %scan3A_11, %mul3A_12 : i32
      %add3A_14 = arith.constant 0 : i32
      %add3A_15 = arith.addi %add3A_14, %mul3A_13 : i32
      %add3A_16 = arith.constant 1 : i32
      %add3A_17 = arith.addi %add3A_15, %add3A_16 : i32
      %dma_start3A_18 = arith.constant 0 : i32
      %dma_start3A_19 = tpu.memref_slice %arg5[%add3A_17, %dma_start3A_18] : memref<110x128xi32, #tpu.memory_space<vmem>> -> memref<1x128xi32, #tpu.memory_space<vmem>>
      %dma_start3A_20 = tpu.memref_squeeze %dma_start3A_19 : memref<1x128xi32, #tpu.memory_space<vmem>> -> memref<128xi32, #tpu.memory_space<vmem>>
      %dma_start3A_21 = arith.constant 0 : i32
      %dma_start3A_22 = arith.constant 0 : i32
      %dma_start3A_23 = tpu.memref_slice %arg3[%dma_start3A_21, %dma_start3A_22] : memref<5143x128xf32, #tpu.memory_space<hbm>> -> memref<5143x128xf32, #tpu.memory_space<hbm>>
      tpu.enqueue_indirect_dma source(%dma_start3A_23 : memref<5143x128xf32, #tpu.memory_space<hbm>>) target(%arg7 : memref<128x128xf32, #tpu.memory_space<vmem>>) offsets(%dma_start3A_20 : memref<128xi32, #tpu.memory_space<vmem>>) semaphore(%arg9 : memref<!tpu.dma_semaphore, #tpu.memory_space<semaphore_mem>>)
      %dma_wait3A = arith.constant 0 : i32
      %dma_wait3A_24 = tpu.memref_slice %arg5[%add3A_15, %dma_wait3A] : memref<110x128xi32, #tpu.memory_space<vmem>> -> memref<1x128xi32, #tpu.memory_space<vmem>>
      %dma_wait3A_25 = tpu.memref_squeeze %dma_wait3A_24 : memref<1x128xi32, #tpu.memory_space<vmem>> -> memref<128xi32, #tpu.memory_space<vmem>>
      %dma_wait3A_26 = arith.constant 0 : i32
      %dma_wait3A_27 = arith.constant 0 : i32
      %dma_wait3A_28 = tpu.memref_slice %arg3[%dma_wait3A_26, %dma_wait3A_27] : memref<5143x128xf32, #tpu.memory_space<hbm>> -> memref<5143x128xf32, #tpu.memory_space<hbm>>
      tpu.wait_indirect_dma semaphore(%arg8 : memref<!tpu.dma_semaphore, #tpu.memory_space<semaphore_mem>>) src(%dma_wait3A_28 : memref<5143x128xf32, #tpu.memory_space<hbm>>) dst(%arg6 : memref<128x128xf32, #tpu.memory_space<vmem>>)
      "tpu.region"() ({
        %run_scoped3A = tpu.sem_alloc : memref<!tpu.dma_semaphore, #tpu.memory_space<semaphore_mem>>
        %dma_start3A_41 = arith.constant 0 : i32
        %dma_start3A_42 = arith.constant 0 : i32
        %dma_start3A_43 = tpu.memref_slice %arg4[%add3A, %add3A_15, %dma_start3A_41, %dma_start3A_42] : memref<32x110x128x128xf32, #tpu.memory_space<hbm>> -> memref<1x1x128x128xf32, #tpu.memory_space<hbm>>
        %dma_start3A_44 = tpu.memref_squeeze %dma_start3A_43 : memref<1x1x128x128xf32, #tpu.memory_space<hbm>> -> memref<128x128xf32, #tpu.memory_space<hbm>>
        %dma_start3A_45 = arith.constant 0 : i32
        %dma_start3A_46 = arith.constant 0 : i32
        %dma_start3A_47 = tpu.memref_slice %arg4[%add3A, %add3A_15, %dma_start3A_45, %dma_start3A_46] : memref<32x110x128x128xf32, #tpu.memory_space<hbm>> -> memref<1x1x128x128xf32, #tpu.memory_space<hbm>>
        %dma_start3A_48 = tpu.memref_squeeze %dma_start3A_47 : memref<1x1x128x128xf32, #tpu.memory_space<hbm>> -> memref<128x128xf32, #tpu.memory_space<hbm>>
        tpu.enqueue_dma source(%arg6 : memref<128x128xf32, #tpu.memory_space<vmem>>) target(%dma_start3A_48 : memref<128x128xf32, #tpu.memory_space<hbm>>) target_semaphore(%run_scoped3A : memref<!tpu.dma_semaphore, #tpu.memory_space<semaphore_mem>>)
        %dma_wait3A_49 = arith.constant 0 : i32
        %dma_wait3A_50 = arith.constant 0 : i32
        %dma_wait3A_51 = tpu.memref_slice %arg4[%add3A, %add3A_15, %dma_wait3A_49, %dma_wait3A_50] : memref<32x110x128x128xf32, #tpu.memory_space<hbm>> -> memref<1x1x128x128xf32, #tpu.memory_space<hbm>>
        %dma_wait3A_52 = tpu.memref_squeeze %dma_wait3A_51 : memref<1x1x128x128xf32, #tpu.memory_space<hbm>> -> memref<128x128xf32, #tpu.memory_space<hbm>>
        %dma_wait3A_53 = arith.constant 0 : i32
        %dma_wait3A_54 = arith.constant 0 : i32
        %dma_wait3A_55 = tpu.memref_slice %arg4[%add3A, %add3A_15, %dma_wait3A_53, %dma_wait3A_54] : memref<32x110x128x128xf32, #tpu.memory_space<hbm>> -> memref<1x1x128x128xf32, #tpu.memory_space<hbm>>
        %dma_wait3A_56 = tpu.memref_squeeze %dma_wait3A_55 : memref<1x1x128x128xf32, #tpu.memory_space<hbm>> -> memref<128x128xf32, #tpu.memory_space<hbm>>
        tpu.wait_dma2 semaphore(%run_scoped3A : memref<!tpu.dma_semaphore, #tpu.memory_space<semaphore_mem>>) src(%arg6 : memref<128x128xf32, #tpu.memory_space<vmem>>) dst(%dma_wait3A_56 : memref<128x128xf32, #tpu.memory_space<hbm>>)
        tpu.yield
      }) : () -> ()
      %add3A_29 = arith.constant 2 : i32
      %add3A_30 = arith.addi %add3A_15, %add3A_29 : i32
      %lt3A = arith.constant 110 : i32
      %lt3A_31 = arith.cmpi slt, %add3A_30, %lt3A : i32
      %convert_element_type3A = arith.extui %lt3A_31 : i1 to i32
      %cond3A = arith.constant 0 : i32
      %cond3A_32 = arith.cmpi ne, %convert_element_type3A, %cond3A : i32
      scf.if %cond3A_32 {
        %add3A_41 = arith.constant 2 : i32
        %add3A_42 = arith.addi %add3A_15, %add3A_41 : i32
        %dma_start3A_43 = arith.constant 0 : i32
        %dma_start3A_44 = tpu.memref_slice %arg5[%add3A_42, %dma_start3A_43] : memref<110x128xi32, #tpu.memory_space<vmem>> -> memref<1x128xi32, #tpu.memory_space<vmem>>
        %dma_start3A_45 = tpu.memref_squeeze %dma_start3A_44 : memref<1x128xi32, #tpu.memory_space<vmem>> -> memref<128xi32, #tpu.memory_space<vmem>>
        %dma_start3A_46 = arith.constant 0 : i32
        %dma_start3A_47 = arith.constant 0 : i32
        %dma_start3A_48 = tpu.memref_slice %arg3[%dma_start3A_46, %dma_start3A_47] : memref<5143x128xf32, #tpu.memory_space<hbm>> -> memref<5143x128xf32, #tpu.memory_space<hbm>>
        tpu.enqueue_indirect_dma source(%dma_start3A_48 : memref<5143x128xf32, #tpu.memory_space<hbm>>) target(%arg6 : memref<128x128xf32, #tpu.memory_space<vmem>>) offsets(%dma_start3A_45 : memref<128xi32, #tpu.memory_space<vmem>>) semaphore(%arg8 : memref<!tpu.dma_semaphore, #tpu.memory_space<semaphore_mem>>)
      } else {
      }
      %dma_wait3A_33 = arith.constant 0 : i32
      %dma_wait3A_34 = tpu.memref_slice %arg5[%add3A_17, %dma_wait3A_33] : memref<110x128xi32, #tpu.memory_space<vmem>> -> memref<1x128xi32, #tpu.memory_space<vmem>>
      %dma_wait3A_35 = tpu.memref_squeeze %dma_wait3A_34 : memref<1x128xi32, #tpu.memory_space<vmem>> -> memref<128xi32, #tpu.memory_space<vmem>>
      %dma_wait3A_36 = arith.constant 0 : i32
      %dma_wait3A_37 = arith.constant 0 : i32
      %dma_wait3A_38 = tpu.memref_slice %arg3[%dma_wait3A_36, %dma_wait3A_37] : memref<5143x128xf32, #tpu.memory_space<hbm>> -> memref<5143x128xf32, #tpu.memory_space<hbm>>
      tpu.wait_indirect_dma semaphore(%arg9 : memref<!tpu.dma_semaphore, #tpu.memory_space<semaphore_mem>>) src(%dma_wait3A_38 : memref<5143x128xf32, #tpu.memory_space<hbm>>) dst(%arg7 : memref<128x128xf32, #tpu.memory_space<vmem>>)
      %add3A_39 = arith.constant 1 : i32
      %add3A_40 = arith.addi %add3A_15, %add3A_39 : i32
      "tpu.region"() ({
        %run_scoped3A = tpu.sem_alloc : memref<!tpu.dma_semaphore, #tpu.memory_space<semaphore_mem>>
        %dma_start3A_41 = arith.constant 0 : i32
        %dma_start3A_42 = arith.constant 0 : i32
        %dma_start3A_43 = tpu.memref_slice %arg4[%add3A, %add3A_40, %dma_start3A_41, %dma_start3A_42] : memref<32x110x128x128xf32, #tpu.memory_space<hbm>> -> memref<1x1x128x128xf32, #tpu.memory_space<hbm>>
        %dma_start3A_44 = tpu.memref_squeeze %dma_start3A_43 : memref<1x1x128x128xf32, #tpu.memory_space<hbm>> -> memref<128x128xf32, #tpu.memory_space<hbm>>
        %dma_start3A_45 = arith.constant 0 : i32
        %dma_start3A_46 = arith.constant 0 : i32
        %dma_start3A_47 = tpu.memref_slice %arg4[%add3A, %add3A_40, %dma_start3A_45, %dma_start3A_46] : memref<32x110x128x128xf32, #tpu.memory_space<hbm>> -> memref<1x1x128x128xf32, #tpu.memory_space<hbm>>
        %dma_start3A_48 = tpu.memref_squeeze %dma_start3A_47 : memref<1x1x128x128xf32, #tpu.memory_space<hbm>> -> memref<128x128xf32, #tpu.memory_space<hbm>>
        tpu.enqueue_dma source(%arg7 : memref<128x128xf32, #tpu.memory_space<vmem>>) target(%dma_start3A_48 : memref<128x128xf32, #tpu.memory_space<hbm>>) target_semaphore(%run_scoped3A : memref<!tpu.dma_semaphore, #tpu.memory_space<semaphore_mem>>)
        %dma_wait3A_49 = arith.constant 0 : i32
        %dma_wait3A_50 = arith.constant 0 : i32
        %dma_wait3A_51 = tpu.memref_slice %arg4[%add3A, %add3A_40, %dma_wait3A_49, %dma_wait3A_50] : memref<32x110x128x128xf32, #tpu.memory_space<hbm>> -> memref<1x1x128x128xf32, #tpu.memory_space<hbm>>
        %dma_wait3A_52 = tpu.memref_squeeze %dma_wait3A_51 : memref<1x1x128x128xf32, #tpu.memory_space<hbm>> -> memref<128x128xf32, #tpu.memory_space<hbm>>
        %dma_wait3A_53 = arith.constant 0 : i32
        %dma_wait3A_54 = arith.constant 0 : i32
        %dma_wait3A_55 = tpu.memref_slice %arg4[%add3A, %add3A_40, %dma_wait3A_53, %dma_wait3A_54] : memref<32x110x128x128xf32, #tpu.memory_space<hbm>> -> memref<1x1x128x128xf32, #tpu.memory_space<hbm>>
        %dma_wait3A_56 = tpu.memref_squeeze %dma_wait3A_55 : memref<1x1x128x128xf32, #tpu.memory_space<hbm>> -> memref<128x128xf32, #tpu.memory_space<hbm>>
        tpu.wait_dma2 semaphore(%run_scoped3A : memref<!tpu.dma_semaphore, #tpu.memory_space<semaphore_mem>>) src(%arg7 : memref<128x128xf32, #tpu.memory_space<vmem>>) dst(%dma_wait3A_56 : memref<128x128xf32, #tpu.memory_space<hbm>>)
        tpu.yield
      }) : () -> ()
    }
    %scan3A_10 = arith.constant 55 : i32
    return
  }
}

module attributes {stable_mosaic.version = 14 : i64} {
  func.func @_knn_body(%arg0: i32, %arg1: memref<200x3xf32, #tpu.memory_space<vmem>>, %arg2: memref<3x5248xf32, #tpu.memory_space<vmem>>, %arg3: memref<1x5248xf32, #tpu.memory_space<vmem>>, %arg4: memref<5143x24xf32, #tpu.memory_space<vmem>>, %arg5: memref<5143x24xf32, #tpu.memory_space<vmem>>, %arg6: memref<5143x32xf32, #tpu.memory_space<vmem>>, %arg7: memref<5143x3xf32, #tpu.memory_space<vmem>>, %arg8: memref<200x9xi32, #tpu.memory_space<vmem>>, %arg9: memref<5143x128xf32, #tpu.memory_space<vmem>>) attributes {dimension_semantics = [#tpu.dimension_semantics<arbitrary>], iteration_bounds = array<i64: 250>, scalar_prefetch = 0 : i64, scratch_operands = 0 : i64, tpu.core_type = #tpu.core_type<tc>, window_params = [{transform_indices = @transform_0, window_bounds = array<i64: 200, 3>}, {pipeline_mode = #tpu.pipeline_mode<synchronous>, transform_indices = @transform_1, window_bounds = array<i64: 3, 5248>}, {pipeline_mode = #tpu.pipeline_mode<synchronous>, transform_indices = @transform_2, window_bounds = array<i64: 1, 5248>}, {pipeline_mode = #tpu.pipeline_mode<synchronous>, transform_indices = @transform_3, window_bounds = array<i64: 5143, 24>}, {pipeline_mode = #tpu.pipeline_mode<synchronous>, transform_indices = @transform_4, window_bounds = array<i64: 5143, 24>}, {pipeline_mode = #tpu.pipeline_mode<synchronous>, transform_indices = @transform_5, window_bounds = array<i64: 5143, 32>}, {pipeline_mode = #tpu.pipeline_mode<synchronous>, transform_indices = @transform_6, window_bounds = array<i64: 5143, 3>}, {transform_indices = @transform_7, window_bounds = array<i64: 200, 9>}, {pipeline_mode = #tpu.pipeline_mode<synchronous>, transform_indices = @transform_8, window_bounds = array<i64: 5143, 128>}]} {
    %eq3A = arith.constant 0 : i32
    %eq3A_0 = arith.cmpi eq, %arg0, %eq3A : i32
    %convert_element_type3A = arith.extui %eq3A_0 : i1 to i32
    %cond3A = arith.constant 0 : i32
    %cond3A_1 = arith.cmpi ne, %convert_element_type3A, %cond3A : i32
    scf.if %cond3A_1 {
      %get3A_94 = arith.constant 0 : index
      %get3A_95 = arith.constant 0 : index
      %get3A_96 = vector.load %arg4[%get3A_94, %get3A_95] : memref<5143x24xf32, #tpu.memory_space<vmem>>, vector<5143x24xf32>
      %get3A_97 = arith.constant 0 : index
      %get3A_98 = arith.constant 0 : index
      %get3A_99 = vector.load %arg5[%get3A_97, %get3A_98] : memref<5143x24xf32, #tpu.memory_space<vmem>>, vector<5143x24xf32>
      %sub3A_100 = arith.subf %get3A_96, %get3A_99 : vector<5143x24xf32>
      %swap3A_101 = arith.constant 0 : index
      %swap3A_102 = arith.constant 0 : index
      %swap3A_103 = vector.load %arg9[%swap3A_101, %swap3A_102] : memref<5143x128xf32, #tpu.memory_space<vmem>>, vector<5143x24xf32>
      tpu.vector_store %arg9[%swap3A_101, %swap3A_102], %sub3A_100 {strides = array<i32>} : memref<5143x128xf32, #tpu.memory_space<vmem>>, vector<5143x24xf32>,
      %get3A_104 = arith.constant 0 : index
      %get3A_105 = arith.constant 0 : index
      %get3A_106 = vector.load %arg6[%get3A_104, %get3A_105] : memref<5143x32xf32, #tpu.memory_space<vmem>>, vector<5143x32xf32>
      %swap3A_107 = arith.constant 0 : index
      %swap3A_108 = arith.constant 24 : index
      %swap3A_109 = vector.load %arg9[%swap3A_107, %swap3A_108] : memref<5143x128xf32, #tpu.memory_space<vmem>>, vector<5143x32xf32>
      tpu.vector_store %arg9[%swap3A_107, %swap3A_108], %get3A_106 {strides = array<i32>} : memref<5143x128xf32, #tpu.memory_space<vmem>>, vector<5143x32xf32>,
      %get3A_110 = arith.constant 0 : index
      %get3A_111 = arith.constant 0 : index
      %get3A_112 = vector.load %arg7[%get3A_110, %get3A_111] : memref<5143x3xf32, #tpu.memory_space<vmem>>, vector<5143x3xf32>
      %swap3A_113 = arith.constant 0 : index
      %swap3A_114 = arith.constant 56 : index
      %swap3A_115 = vector.load %arg9[%swap3A_113, %swap3A_114] : memref<5143x128xf32, #tpu.memory_space<vmem>>, vector<5143x3xf32>
      tpu.vector_store %arg9[%swap3A_113, %swap3A_114], %get3A_112 {strides = array<i32>} : memref<5143x128xf32, #tpu.memory_space<vmem>>, vector<5143x3xf32>,
      %broadcast_in_dim3A_116 = arith.constant 0.000000e+00 : f32
      %broadcast_in_dim3A_117 = vector.broadcast %broadcast_in_dim3A_116 : f32 to vector<5143x69xf32>
      %swap3A_118 = arith.constant 0 : index
      %swap3A_119 = arith.constant 59 : index
      %swap3A_120 = vector.load %arg9[%swap3A_118, %swap3A_119] : memref<5143x128xf32, #tpu.memory_space<vmem>>, vector<5143x69xf32>
      tpu.vector_store %arg9[%swap3A_118, %swap3A_119], %broadcast_in_dim3A_117 {strides = array<i32>} : memref<5143x128xf32, #tpu.memory_space<vmem>>, vector<5143x69xf32>,
    } else {
    }
    %get3A = arith.constant 0 : index
    %get3A_2 = arith.constant 0 : index
    %get3A_3 = vector.load %arg1[%get3A, %get3A_2] : memref<200x3xf32, #tpu.memory_space<vmem>>, vector<200x3xf32>
    %get3A_4 = arith.constant 0 : index
    %get3A_5 = arith.constant 0 : index
    %get3A_6 = vector.load %arg2[%get3A_4, %get3A_5] : memref<3x5248xf32, #tpu.memory_space<vmem>>, vector<3x5248xf32>
    %dot_general3A = arith.constant dense<0.000000e+00> : vector<200x5248xf32>
    %dot_general3A_7 = tpu.matmul %get3A_3, %get3A_6, %dot_general3A {dimension_numbers = #tpu.dot_dimension_numbers<[1], [0], [0], [1], [0, 0, 1, 1], [], []>, transpose_lhs_hint = false} : vector<200x3xf32>, vector<3x5248xf32>, vector<200x5248xf32> -> vector<200x5248xf32>
    %get3A_8 = arith.constant 0 : index
    %get3A_9 = arith.constant 0 : index
    %get3A_10 = vector.load %arg3[%get3A_8, %get3A_9] : memref<1x5248xf32, #tpu.memory_space<vmem>>, vector<1x5248xf32>
    %mul3A = arith.constant 2.000000e+00 : f32
    %mul3A_11 = vector.broadcast %mul3A : f32 to vector<200x5248xf32>
    %mul3A_12 = arith.mulf %mul3A_11, %dot_general3A_7 : vector<200x5248xf32>
    %sub3A = vector.broadcast %get3A_10 : vector<1x5248xf32> to vector<200x5248xf32>
    %sub3A_13 = arith.subf %sub3A, %mul3A_12 : vector<200x5248xf32>
    %iota3A = tpu.iota {dimensions = array<i32: 1>} : vector<200x5248xi32>
    %argmin3A = tpu.reduce_index %sub3A_13 {axis = 1 : i32, kind = #tpu.reduction_kind<arg_min>} : vector<200x5248xf32> -> vector<200xi32>
    %broadcast_in_dim3A = vector.shape_cast %argmin3A : vector<200xi32> to vector<200x1xi32>
    %swap3A = arith.constant 0 : index
    %swap3A_14 = arith.constant 0 : index
    %swap3A_15 = vector.load %arg8[%swap3A, %swap3A_14] : memref<200x9xi32, #tpu.memory_space<vmem>>, vector<200x1xi32>
    tpu.vector_store %arg8[%swap3A, %swap3A_14], %broadcast_in_dim3A {strides = array<i32>} : memref<200x9xi32, #tpu.memory_space<vmem>>, vector<200x1xi32>,
    %eq3A_16 = vector.broadcast %broadcast_in_dim3A : vector<200x1xi32> to vector<200x5248xi32>
    %eq3A_17 = arith.cmpi eq, %iota3A, %eq3A_16 : vector<200x5248xi32>
    %jit3A = arith.constant 0x7F800000 : f32
    %broadcast_in_dim3A_18 = vector.broadcast %jit3A : f32 to vector<200x5248xf32>
    %select_n3A = arith.select %eq3A_17, %broadcast_in_dim3A_18, %sub3A_13 : vector<200x5248xi1>, vector<200x5248xf32>
    %argmin3A_19 = tpu.reduce_index %select_n3A {axis = 1 : i32, kind = #tpu.reduction_kind<arg_min>} : vector<200x5248xf32> -> vector<200xi32>
    %broadcast_in_dim3A_20 = vector.shape_cast %argmin3A_19 : vector<200xi32> to vector<200x1xi32>
    %swap3A_21 = arith.constant 0 : index
    %swap3A_22 = arith.constant 1 : index
    %swap3A_23 = vector.load %arg8[%swap3A_21, %swap3A_22] : memref<200x9xi32, #tpu.memory_space<vmem>>, vector<200x1xi32>
    tpu.vector_store %arg8[%swap3A_21, %swap3A_22], %broadcast_in_dim3A_20 {strides = array<i32>} : memref<200x9xi32, #tpu.memory_space<vmem>>, vector<200x1xi32>,
    %eq3A_24 = vector.broadcast %broadcast_in_dim3A_20 : vector<200x1xi32> to vector<200x5248xi32>
    %eq3A_25 = arith.cmpi eq, %iota3A, %eq3A_24 : vector<200x5248xi32>
    %jit3A_26 = arith.constant 0x7F800000 : f32
    %broadcast_in_dim3A_27 = vector.broadcast %jit3A_26 : f32 to vector<200x5248xf32>
    %select_n3A_28 = arith.select %eq3A_25, %broadcast_in_dim3A_27, %select_n3A : vector<200x5248xi1>, vector<200x5248xf32>
    %argmin3A_29 = tpu.reduce_index %select_n3A_28 {axis = 1 : i32, kind = #tpu.reduction_kind<arg_min>} : vector<200x5248xf32> -> vector<200xi32>
    %broadcast_in_dim3A_30 = vector.shape_cast %argmin3A_29 : vector<200xi32> to vector<200x1xi32>
    %swap3A_31 = arith.constant 0 : index
    %swap3A_32 = arith.constant 2 : index
    %swap3A_33 = vector.load %arg8[%swap3A_31, %swap3A_32] : memref<200x9xi32, #tpu.memory_space<vmem>>, vector<200x1xi32>
    tpu.vector_store %arg8[%swap3A_31, %swap3A_32], %broadcast_in_dim3A_30 {strides = array<i32>} : memref<200x9xi32, #tpu.memory_space<vmem>>, vector<200x1xi32>,
    %eq3A_34 = vector.broadcast %broadcast_in_dim3A_30 : vector<200x1xi32> to vector<200x5248xi32>
    %eq3A_35 = arith.cmpi eq, %iota3A, %eq3A_34 : vector<200x5248xi32>
    %jit3A_36 = arith.constant 0x7F800000 : f32
    %broadcast_in_dim3A_37 = vector.broadcast %jit3A_36 : f32 to vector<200x5248xf32>
    %select_n3A_38 = arith.select %eq3A_35, %broadcast_in_dim3A_37, %select_n3A_28 : vector<200x5248xi1>, vector<200x5248xf32>
    %argmin3A_39 = tpu.reduce_index %select_n3A_38 {axis = 1 : i32, kind = #tpu.reduction_kind<arg_min>} : vector<200x5248xf32> -> vector<200xi32>
    %broadcast_in_dim3A_40 = vector.shape_cast %argmin3A_39 : vector<200xi32> to vector<200x1xi32>
    %swap3A_41 = arith.constant 0 : index
    %swap3A_42 = arith.constant 3 : index
    %swap3A_43 = vector.load %arg8[%swap3A_41, %swap3A_42] : memref<200x9xi32, #tpu.memory_space<vmem>>, vector<200x1xi32>
    tpu.vector_store %arg8[%swap3A_41, %swap3A_42], %broadcast_in_dim3A_40 {strides = array<i32>} : memref<200x9xi32, #tpu.memory_space<vmem>>, vector<200x1xi32>,
    %eq3A_44 = vector.broadcast %broadcast_in_dim3A_40 : vector<200x1xi32> to vector<200x5248xi32>
    %eq3A_45 = arith.cmpi eq, %iota3A, %eq3A_44 : vector<200x5248xi32>
    %jit3A_46 = arith.constant 0x7F800000 : f32
    %broadcast_in_dim3A_47 = vector.broadcast %jit3A_46 : f32 to vector<200x5248xf32>
    %select_n3A_48 = arith.select %eq3A_45, %broadcast_in_dim3A_47, %select_n3A_38 : vector<200x5248xi1>, vector<200x5248xf32>
    %argmin3A_49 = tpu.reduce_index %select_n3A_48 {axis = 1 : i32, kind = #tpu.reduction_kind<arg_min>} : vector<200x5248xf32> -> vector<200xi32>
    %broadcast_in_dim3A_50 = vector.shape_cast %argmin3A_49 : vector<200xi32> to vector<200x1xi32>
    %swap3A_51 = arith.constant 0 : index
    %swap3A_52 = arith.constant 4 : index
    %swap3A_53 = vector.load %arg8[%swap3A_51, %swap3A_52] : memref<200x9xi32, #tpu.memory_space<vmem>>, vector<200x1xi32>
    tpu.vector_store %arg8[%swap3A_51, %swap3A_52], %broadcast_in_dim3A_50 {strides = array<i32>} : memref<200x9xi32, #tpu.memory_space<vmem>>, vector<200x1xi32>,
    %eq3A_54 = vector.broadcast %broadcast_in_dim3A_50 : vector<200x1xi32> to vector<200x5248xi32>
    %eq3A_55 = arith.cmpi eq, %iota3A, %eq3A_54 : vector<200x5248xi32>
    %jit3A_56 = arith.constant 0x7F800000 : f32
    %broadcast_in_dim3A_57 = vector.broadcast %jit3A_56 : f32 to vector<200x5248xf32>
    %select_n3A_58 = arith.select %eq3A_55, %broadcast_in_dim3A_57, %select_n3A_48 : vector<200x5248xi1>, vector<200x5248xf32>
    %argmin3A_59 = tpu.reduce_index %select_n3A_58 {axis = 1 : i32, kind = #tpu.reduction_kind<arg_min>} : vector<200x5248xf32> -> vector<200xi32>
    %broadcast_in_dim3A_60 = vector.shape_cast %argmin3A_59 : vector<200xi32> to vector<200x1xi32>
    %swap3A_61 = arith.constant 0 : index
    %swap3A_62 = arith.constant 5 : index
    %swap3A_63 = vector.load %arg8[%swap3A_61, %swap3A_62] : memref<200x9xi32, #tpu.memory_space<vmem>>, vector<200x1xi32>
    tpu.vector_store %arg8[%swap3A_61, %swap3A_62], %broadcast_in_dim3A_60 {strides = array<i32>} : memref<200x9xi32, #tpu.memory_space<vmem>>, vector<200x1xi32>,
    %eq3A_64 = vector.broadcast %broadcast_in_dim3A_60 : vector<200x1xi32> to vector<200x5248xi32>
    %eq3A_65 = arith.cmpi eq, %iota3A, %eq3A_64 : vector<200x5248xi32>
    %jit3A_66 = arith.constant 0x7F800000 : f32
    %broadcast_in_dim3A_67 = vector.broadcast %jit3A_66 : f32 to vector<200x5248xf32>
    %select_n3A_68 = arith.select %eq3A_65, %broadcast_in_dim3A_67, %select_n3A_58 : vector<200x5248xi1>, vector<200x5248xf32>
    %argmin3A_69 = tpu.reduce_index %select_n3A_68 {axis = 1 : i32, kind = #tpu.reduction_kind<arg_min>} : vector<200x5248xf32> -> vector<200xi32>
    %broadcast_in_dim3A_70 = vector.shape_cast %argmin3A_69 : vector<200xi32> to vector<200x1xi32>
    %swap3A_71 = arith.constant 0 : index
    %swap3A_72 = arith.constant 6 : index
    %swap3A_73 = vector.load %arg8[%swap3A_71, %swap3A_72] : memref<200x9xi32, #tpu.memory_space<vmem>>, vector<200x1xi32>
    tpu.vector_store %arg8[%swap3A_71, %swap3A_72], %broadcast_in_dim3A_70 {strides = array<i32>} : memref<200x9xi32, #tpu.memory_space<vmem>>, vector<200x1xi32>,
    %eq3A_74 = vector.broadcast %broadcast_in_dim3A_70 : vector<200x1xi32> to vector<200x5248xi32>
    %eq3A_75 = arith.cmpi eq, %iota3A, %eq3A_74 : vector<200x5248xi32>
    %jit3A_76 = arith.constant 0x7F800000 : f32
    %broadcast_in_dim3A_77 = vector.broadcast %jit3A_76 : f32 to vector<200x5248xf32>
    %select_n3A_78 = arith.select %eq3A_75, %broadcast_in_dim3A_77, %select_n3A_68 : vector<200x5248xi1>, vector<200x5248xf32>
    %argmin3A_79 = tpu.reduce_index %select_n3A_78 {axis = 1 : i32, kind = #tpu.reduction_kind<arg_min>} : vector<200x5248xf32> -> vector<200xi32>
    %broadcast_in_dim3A_80 = vector.shape_cast %argmin3A_79 : vector<200xi32> to vector<200x1xi32>
    %swap3A_81 = arith.constant 0 : index
    %swap3A_82 = arith.constant 7 : index
    %swap3A_83 = vector.load %arg8[%swap3A_81, %swap3A_82] : memref<200x9xi32, #tpu.memory_space<vmem>>, vector<200x1xi32>
    tpu.vector_store %arg8[%swap3A_81, %swap3A_82], %broadcast_in_dim3A_80 {strides = array<i32>} : memref<200x9xi32, #tpu.memory_space<vmem>>, vector<200x1xi32>,
    %eq3A_84 = vector.broadcast %broadcast_in_dim3A_80 : vector<200x1xi32> to vector<200x5248xi32>
    %eq3A_85 = arith.cmpi eq, %iota3A, %eq3A_84 : vector<200x5248xi32>
    %jit3A_86 = arith.constant 0x7F800000 : f32
    %broadcast_in_dim3A_87 = vector.broadcast %jit3A_86 : f32 to vector<200x5248xf32>
    %select_n3A_88 = arith.select %eq3A_85, %broadcast_in_dim3A_87, %select_n3A_78 : vector<200x5248xi1>, vector<200x5248xf32>
    %argmin3A_89 = tpu.reduce_index %select_n3A_88 {axis = 1 : i32, kind = #tpu.reduction_kind<arg_min>} : vector<200x5248xf32> -> vector<200xi32>
    %broadcast_in_dim3A_90 = vector.shape_cast %argmin3A_89 : vector<200xi32> to vector<200x1xi32>
    %swap3A_91 = arith.constant 0 : index
    %swap3A_92 = arith.constant 8 : index
    %swap3A_93 = vector.load %arg8[%swap3A_91, %swap3A_92] : memref<200x9xi32, #tpu.memory_space<vmem>>, vector<200x1xi32>
    tpu.vector_store %arg8[%swap3A_91, %swap3A_92], %broadcast_in_dim3A_90 {strides = array<i32>} : memref<200x9xi32, #tpu.memory_space<vmem>>, vector<200x1xi32>,
    return
  }
  func.func @transform_0(%arg0: i32) -> (i32, i32) {
    %c0_i32 = arith.constant 0 : i32
    %c0_i32_0 = arith.constant 0 : i32
    return %arg0, %c0_i32 : i32, i32
  }
  func.func @transform_1(%arg0: i32) -> (i32, i32) {
    %c0_i32 = arith.constant 0 : i32
    %c0_i32_0 = arith.constant 0 : i32
    %c0_i32_1 = arith.constant 0 : i32
    return %c0_i32, %c0_i32_0 : i32, i32
  }
  func.func @transform_2(%arg0: i32) -> (i32, i32) {
    %c0_i32 = arith.constant 0 : i32
    %c0_i32_0 = arith.constant 0 : i32
    %c0_i32_1 = arith.constant 0 : i32
    return %c0_i32, %c0_i32_0 : i32, i32
  }
  func.func @transform_3(%arg0: i32) -> (i32, i32) {
    %c0_i32 = arith.constant 0 : i32
    %c0_i32_0 = arith.constant 0 : i32
    %c0_i32_1 = arith.constant 0 : i32
    return %c0_i32, %c0_i32_0 : i32, i32
  }
  func.func @transform_4(%arg0: i32) -> (i32, i32) {
    %c0_i32 = arith.constant 0 : i32
    %c0_i32_0 = arith.constant 0 : i32
    %c0_i32_1 = arith.constant 0 : i32
    return %c0_i32, %c0_i32_0 : i32, i32
  }
  func.func @transform_5(%arg0: i32) -> (i32, i32) {
    %c0_i32 = arith.constant 0 : i32
    %c0_i32_0 = arith.constant 0 : i32
    %c0_i32_1 = arith.constant 0 : i32
    return %c0_i32, %c0_i32_0 : i32, i32
  }
  func.func @transform_6(%arg0: i32) -> (i32, i32) {
    %c0_i32 = arith.constant 0 : i32
    %c0_i32_0 = arith.constant 0 : i32
    %c0_i32_1 = arith.constant 0 : i32
    return %c0_i32, %c0_i32_0 : i32, i32
  }
  func.func @transform_7(%arg0: i32) -> (i32, i32) {
    %c0_i32 = arith.constant 0 : i32
    %c0_i32_0 = arith.constant 0 : i32
    return %arg0, %c0_i32 : i32, i32
  }
  func.func @transform_8(%arg0: i32) -> (i32, i32) {
    %c0_i32 = arith.constant 0 : i32
    %c0_i32_0 = arith.constant 0 : i32
    %c0_i32_1 = arith.constant 0 : i32
    return %c0_i32, %c0_i32_0 : i32, i32
  }
}

module attributes {stable_mosaic.version = 14 : i64} {
  func.func @_post_body(%arg0: i32, %arg1: memref<1800x128xf32, #tpu.memory_space<vmem>>, %arg2: memref<200x3xf32, #tpu.memory_space<vmem>>, %arg3: memref<1800x24xf32, #tpu.memory_space<vmem>>, %arg4: memref<1800x32xf32, #tpu.memory_space<vmem>>, %arg5: memref<1800x1xf32, #tpu.memory_space<vmem>>) attributes {dimension_semantics = [#tpu.dimension_semantics<arbitrary>], iteration_bounds = array<i64: 250>, scalar_prefetch = 0 : i64, scratch_operands = 0 : i64, tpu.core_type = #tpu.core_type<tc>, window_params = [{transform_indices = @transform_0, window_bounds = array<i64: 1800, 128>}, {transform_indices = @transform_1, window_bounds = array<i64: 200, 3>}, {transform_indices = @transform_2, window_bounds = array<i64: 1800, 24>}, {transform_indices = @transform_3, window_bounds = array<i64: 1800, 32>}, {transform_indices = @transform_4, window_bounds = array<i64: 1800, 1>}]} {
    %get3A = arith.constant 0 : index
    %get3A_0 = arith.constant 0 : index
    %get3A_1 = vector.load %arg1[%get3A, %get3A_0] : memref<1800x128xf32, #tpu.memory_space<vmem>>, vector<1800x128xf32>
    %slice3A = vector.extract_strided_slice %get3A_1 {offsets = [0, 0], sizes = [1800, 24], strides = [1, 1]} : vector<1800x128xf32> to vector<1800x24xf32>
    %swap3A = arith.constant 0 : index
    %swap3A_2 = arith.constant 0 : index
    %swap3A_3 = vector.load %arg3[%swap3A, %swap3A_2] : memref<1800x24xf32, #tpu.memory_space<vmem>>, vector<1800x24xf32>
    tpu.vector_store %arg3[%swap3A, %swap3A_2], %slice3A {strides = array<i32>} : memref<1800x24xf32, #tpu.memory_space<vmem>>, vector<1800x24xf32>,
    %slice3A_4 = vector.extract_strided_slice %get3A_1 {offsets = [0, 24], sizes = [1800, 32], strides = [1, 1]} : vector<1800x128xf32> to vector<1800x32xf32>
    %swap3A_5 = arith.constant 0 : index
    %swap3A_6 = arith.constant 0 : index
    %swap3A_7 = vector.load %arg4[%swap3A_5, %swap3A_6] : memref<1800x32xf32, #tpu.memory_space<vmem>>, vector<1800x32xf32>
    tpu.vector_store %arg4[%swap3A_5, %swap3A_6], %slice3A_4 {strides = array<i32>} : memref<1800x32xf32, #tpu.memory_space<vmem>>, vector<1800x32xf32>,
    %get3A_8 = arith.constant 0 : index
    %get3A_9 = arith.constant 0 : index
    %get3A_10 = vector.load %arg2[%get3A_8, %get3A_9] : memref<200x3xf32, #tpu.memory_space<vmem>>, vector<200x3xf32>
    %broadcast_in_dim3A = vector.shape_cast %get3A_10 : vector<200x3xf32> to vector<200x1x3xf32>
    %broadcast_in_dim3A_11 = vector.shape_cast %broadcast_in_dim3A : vector<200x1x3xf32> to vector<200x1x3xf32>
    %broadcast_in_dim3A_12 = vector.broadcast %broadcast_in_dim3A_11 : vector<200x1x3xf32> to vector<200x9x3xf32>
    %reshape3A = vector.shape_cast %broadcast_in_dim3A_12 : vector<200x9x3xf32> to vector<1800x3xf32>
    %slice3A_13 = vector.extract_strided_slice %get3A_1 {offsets = [0, 56], sizes = [1800, 1], strides = [1, 1]} : vector<1800x128xf32> to vector<1800x1xf32>
    %slice3A_14 = vector.extract_strided_slice %reshape3A {offsets = [0, 0], sizes = [1800, 1], strides = [1, 1]} : vector<1800x3xf32> to vector<1800x1xf32>
    %sub3A = arith.subf %slice3A_13, %slice3A_14 : vector<1800x1xf32>
    %slice3A_15 = vector.extract_strided_slice %get3A_1 {offsets = [0, 57], sizes = [1800, 1], strides = [1, 1]} : vector<1800x128xf32> to vector<1800x1xf32>
    %slice3A_16 = vector.extract_strided_slice %reshape3A {offsets = [0, 1], sizes = [1800, 1], strides = [1, 1]} : vector<1800x3xf32> to vector<1800x1xf32>
    %sub3A_17 = arith.subf %slice3A_15, %slice3A_16 : vector<1800x1xf32>
    %slice3A_18 = vector.extract_strided_slice %get3A_1 {offsets = [0, 58], sizes = [1800, 1], strides = [1, 1]} : vector<1800x128xf32> to vector<1800x1xf32>
    %slice3A_19 = vector.extract_strided_slice %reshape3A {offsets = [0, 2], sizes = [1800, 1], strides = [1, 1]} : vector<1800x3xf32> to vector<1800x1xf32>
    %sub3A_20 = arith.subf %slice3A_18, %slice3A_19 : vector<1800x1xf32>
    %mul3A = arith.mulf %sub3A, %sub3A : vector<1800x1xf32>
    %mul3A_21 = arith.mulf %sub3A_17, %sub3A_17 : vector<1800x1xf32>
    %add3A = arith.addf %mul3A, %mul3A_21 : vector<1800x1xf32>
    %mul3A_22 = arith.mulf %sub3A_20, %sub3A_20 : vector<1800x1xf32>
    %add3A_23 = arith.addf %add3A, %mul3A_22 : vector<1800x1xf32>
    %add3A_24 = arith.constant 9.99999996E-13 : f32
    %add3A_25 = vector.broadcast %add3A_24 : f32 to vector<1800x1xf32>
    %add3A_26 = arith.addf %add3A_23, %add3A_25 : vector<1800x1xf32>
    %sqrt3A = math.sqrt %add3A_26 : vector<1800x1xf32>
    %swap3A_27 = arith.constant 0 : index
    %swap3A_28 = arith.constant 0 : index
    %swap3A_29 = vector.load %arg5[%swap3A_27, %swap3A_28] : memref<1800x1xf32, #tpu.memory_space<vmem>>, vector<1800x1xf32>
    tpu.vector_store %arg5[%swap3A_27, %swap3A_28], %sqrt3A {strides = array<i32>} : memref<1800x1xf32, #tpu.memory_space<vmem>>, vector<1800x1xf32>,
    return
  }
  func.func @transform_0(%arg0: i32) -> (i32, i32) {
    %c0_i32 = arith.constant 0 : i32
    %c0_i32_0 = arith.constant 0 : i32
    return %arg0, %c0_i32 : i32, i32
  }
  func.func @transform_1(%arg0: i32) -> (i32, i32) {
    %c0_i32 = arith.constant 0 : i32
    %c0_i32_0 = arith.constant 0 : i32
    return %arg0, %c0_i32 : i32, i32
  }
  func.func @transform_2(%arg0: i32) -> (i32, i32) {
    %c0_i32 = arith.constant 0 : i32
    %c0_i32_0 = arith.constant 0 : i32
    return %arg0, %c0_i32 : i32, i32
  }
  func.func @transform_3(%arg0: i32) -> (i32, i32) {
    %c0_i32 = arith.constant 0 : i32
    %c0_i32_0 = arith.constant 0 : i32
    return %arg0, %c0_i32 : i32, i32
  }
  func.func @transform_4(%arg0: i32) -> (i32, i32) {
    %c0_i32 = arith.constant 0 : i32
    %c0_i32_0 = arith.constant 0 : i32
    return %arg0, %c0_i32 : i32, i32
  }
}

</mosaic_0001>

<sc_bundles>
// kernel: kernel.5.cloned.1.call-start
scs
__scs_entry_jumppad:
0x0: {  	(pc) =	sbr.rel $0x88, $3  }
0x1: {  	(tag) =	ssettag $0x0;
	lr =	simm.s32 $0x1  }
0x2: {  	[smem:$0x3F9D] =	sst lr;
	_ =	strace $0xD0000000  }
0x3: {  	_ = 	snop  }
0x4: {  	_ = 	snop  }
0x5: {  	_ = 	snop  }
0x6: {  	_ = 	snop  }
0x7: {  	_ = 	snop  }
__scs_overlays_trampoline_lowered:
0x8: {  	[smem:$0x3FAC] =	sst s0  }
0x9: {  	[smem:$0x3FAD] =	sst s1  }
0xa: {  	[smem:$0x3FAE] =	sst s2  }
0xb: {  	[smem:$0x3FAF] =	sst s3  }
0xc: {  	[smem:$0x3FB0] =	sst s4  }
0xd: {  	[smem:$0x3FB1] =	sst s5  }
0xe: {  	[smem:$0x3FB2] =	sst s6  }
0xf: {  	[smem:$0x3FB3] =	sst s7  }
0x10: {  	[smem:$0x3FB4] =	sst s8  }
0x11: {  	[smem:$0x3FB5] =	sst s9;
	s0 =	simm.s32 @!p0 $0x0  }
0x12: {  	s1 =	sld [smem:$0x3F9B];
	s0 =	simm.s32 @p0 $0x1  }
0x13: {  	[smem:$0x3FB6] =	sst s0;
	s0 =	simm.s32 @!p1 $0x0  }
0x14: {  	s2 =	sld [smem:$0x3F9A];
	s0 =	simm.s32 @p1 $0x1  }
0x15: {  	[smem:$0x3FB7] =	sst s0;
	s0 =	simm.s32 @!p2 $0x0  }
0x16: {  	s3 =	sld [smem:$0x3FDB];
	s0 =	simm.s32 @p2 $0x1  }
0x17: {  	s4 =	simm.s32 $0x1BF5;
	[smem:$0x3FB9] =	sst s0  }
0x18: {  	s0 =	sld [smem:$0x3F9C];
	_ =	swait.ge [sflag:s4], $0x0  }
0x19: {  	s7 =	sld [smem:$0x3F9D]  }
0x1a: {  	s8 =	sadd.s32 $0xFFFFE003, lr  }
0x1b: {  	s9 =	sadd.s32 $0xFFFFFEF7, lr;
	s5 =	simm.s32 $0xFFFFFFFF;
	p2 =	slt.u32 s8, $0xFFFFF086  }
0x1c: {  	p1 =	slt.u32 s9, $0xF7A;
	s5 =	simm.s32 @!p2 $0x0  }
0x1d: {  	s5 =	simm.s32 @p1 $0x1;
	p0 =	seq.s32 s7, s2  }
0x1e: {  	s7 =	smul.u32 @!p0 $0xF7A, s2;
	p2 =	seq.s32 @!p0 s5, $0x0  }
0x1f: {  	s9 =	smul.u32 $0xF7A, s1;
	s8 =	simm.s32 @!p0 $0x1BF5;
	p2 =	por !p2, p0  }
0x20: {  	[sflag:s8] =	ssyncset.s32 @!p0 $0xFFFFF086;
	s6 =	sadd.s32 @!p0 s3, s7;
	s7 =	simm.s32 @!p0 $0x108  }
0x21: {  	s3 =	sadd.s32 s3, s9;
	s6 =	sadd.s32 @!p0 $0x88, s6;
	s7 =	simm.s32 @p2 $0x1082  }
0x22: {  	[simem:s7], [sflag:s8] =	dma.local @!p0 [hbm:s6], $0xF7A  }
0x23: {  	s9 =	sor.u32 $0xD0000000, s2;
	s6 =	simm.s32 $0x108;
	_ =	swait.ge @!p0 [sflag:s8], $0x0  }
0x24: {  	s3 =	sadd.s32 $0x88, s3;
	s6 =	simm.s32 @!p1 $0x1082;
	[sflag:s4] =	ssyncset.s32 $0xFFFFF086  }
0x25: {  	[simem:s6], [sflag:s4] =	dma.local [hbm:s3], $0xF7A  }
0x26: {  	[smem:$0x3F9D] =	sst s1;
	(tag) =	ssettag s2;
	_ =	strace s9  }
0x27: {  	s1 =	sld [smem:$0x3FAD]  }
0x28: {  	s2 =	sld [smem:$0x3FAE]  }
0x29: {  	s4 =	sld [smem:$0x3FB0]  }
0x2a: {  	p0 =	seq.s32 s5, $0x0;
	s5 =	sld [smem:$0x3FB1]  }
0x2b: {  	s6 =	sld [smem:$0x3FB2]  }
0x2c: {  	s7 =	sld [smem:$0x3FB3]  }
0x2d: {  	s3 =	simm.s32 $0x108;
	s8 =	sld [smem:$0x3FB4]  }
0x2e: {  	s3 =	simm.s32 @!p0 $0x1082;
	s9 =	sld [smem:$0x3FB5]  }
0x2f: {  	lr =	sadd.s32 s0, s3;
	s0 =	sld [smem:$0x3FAC]  }
0x30: {  	s3 =	sld [smem:$0x3FAF]  }
0x31: {  	[smem:$0x3FB8] =	sst s10  }
0x32: {  	s10 =	sld [smem:$0x3FB6];
	_ =	sdelay $0x3  }
0x33: {  	p0 =	seq.s32 s10, $0x1;
	s10 =	sld [smem:$0x3FB8];
	_ =	sdelay $0x3  }
0x34: {  	[smem:$0x3FB8] =	sst s10  }
0x35: {  	s10 =	sld [smem:$0x3FB7];
	_ =	sdelay $0x3  }
0x36: {  	p1 =	seq.s32 s10, $0x1;
	s10 =	sld [smem:$0x3FB8];
	_ =	sdelay $0x3  }
0x37: {  	[smem:$0x3FB8] =	sst s10  }
0x38: {  	s10 =	sld [smem:$0x3FB9]  }
0x39: {  	_ = 	snop;
	(pc) =	sbr.ind lr, $3  }
0x3a: {  	_ = 	snop  }
0x3b: {  	_ = 	snop  }
0x3c: {  	p2 =	seq.s32 s10, $0x1;
	s10 =	sld [smem:$0x3FB8]  }
0x3d: {  	_ =	shalt  }
0x3e: {  	_ =	shalt  }
0x3f: {  	_ =	shalt  }
0x40: {  	_ =	shalt  }
0x41: {  	_ =	shalt  }
0x42: {  	_ =	shalt  }
0x43: {  	_ =	shalt  }
0x44: {  	_ =	shalt  }
0x45: {  	_ =	shalt  }
0x46: {  	_ =	shalt  }
0x47: {  	_ =	shalt  }
0x48: {  	_ =	shalt  }
0x49: {  	_ =	shalt  }
0x4a: {  	_ =	shalt  }
0x4b: {  	_ =	shalt  }
0x4c: {  	_ =	shalt  }
0x4d: {  	_ =	shalt  }
0x4e: {  	_ =	shalt  }
0x4f: {  	_ =	shalt  }
0x50: {  	_ =	shalt  }
0x51: {  	_ =	shalt  }
0x52: {  	_ =	shalt  }
0x53: {  	_ =	shalt  }
0x54: {  	_ =	shalt  }
0x55: {  	_ =	shalt  }
0x56: {  	_ =	shalt  }
0x57: {  	_ =	shalt  }
0x58: {  	_ =	shalt  }
0x59: {  	_ =	shalt  }
0x5a: {  	_ =	shalt  }
0x5b: {  	_ =	shalt  }
0x5c: {  	_ =	shalt  }
0x5d: {  	_ =	shalt  }
0x5e: {  	_ =	shalt  }
0x5f: {  	_ =	shalt  }
0x60: {  	_ =	shalt  }
0x61: {  	_ =	shalt  }
0x62: {  	_ =	shalt  }
0x63: {  	_ =	shalt  }
0x64: {  	_ =	shalt  }
0x65: {  	_ =	shalt  }
0x66: {  	_ =	shalt  }
0x67: {  	_ =	shalt  }
0x68: {  	_ =	shalt  }
0x69: {  	_ =	shalt  }
0x6a: {  	_ =	shalt  }
0x6b: {  	_ =	shalt  }
0x6c: {  	_ =	shalt  }
0x6d: {  	_ =	shalt  }
0x6e: {  	_ =	shalt  }
0x6f: {  	_ =	shalt  }
0x70: {  	_ =	shalt  }
0x71: {  	_ =	shalt  }
0x72: {  	_ =	shalt  }
0x73: {  	_ =	shalt  }
0x74: {  	_ =	shalt  }
0x75: {  	_ =	shalt  }
0x76: {  	_ =	shalt  }
0x77: {  	_ =	shalt  }
0x78: {  	_ =	shalt  }
0x79: {  	_ =	shalt  }
0x7a: {  	_ =	shalt  }
0x7b: {  	_ =	shalt  }
0x7c: {  	_ =	shalt  }
0x7d: {  	_ =	shalt  }
0x7e: {  	_ =	shalt  }
0x7f: {  	_ =	shalt  }
0x80: {  	_ =	shalt  }
0x81: {  	_ =	shalt  }
0x82: {  	_ =	shalt  }
0x83: {  	_ =	shalt  }
0x84: {  	_ =	shalt  }
0x85: {  	_ =	shalt  }
0x86: {  	_ =	shalt  }
0x87: {  	_ =	shalt  }
.Lfunc_end0:
.L_simem_size_0:
called_computation.2_lowered:
.L_overlay_start_0:
0x88: {  	s2 =	sld [smem:$0x3FD9]  }
0x89: {  	s3 =	sld [smem:$0x3FFE];
	_ =	sdelay $0x1  }
0x8a: {  	s1 =	srdreg.scid  }
0x8b: {  	s0 =	sand.u32 $0x1, s1  }
0x8c: {  	s14 =	sshll.u32 s0, $0xA;
	s2 =	sadd.s32 s3, s2  }
0x8d: {  	s2 =	sadd.s32 s2, s14  }
0x8e: {  	[smem:$0x3FC4] =	sst s2  }
0x8f: {  	_ = 	snop  }
0x90: {  	s2 =	sld [smem:$0x3FD0];
	_ =	sdelay $0x2  }
0x91: {  	s15 =	simm.s32 $0xB;
	s4 =	simm.s32 $0x10  }
0x92: {  	[smem:s4], [sflag:s15] =	dma.local [hbm:s2], $0x1  }
0x93: {  	_ =	swait.eq [sflag:s15], $0x1  }
0x94: {  	[sflag:s15] =	ssyncset.done $0x0  }
0x95: {  	[sflag:s15] =	ssyncadd.s32 $0xFFFFFFFF  }
0x96: {  	s16 =	sld [smem:$0x11];
	(tm) =	ssettm $0x1  }
0x97: {  	s17 =	sld [smem:$0x3FFB];
	_ =	sdelay $0x3  }
0x98: {  	_ =	strace s17  }
0x99: {  	s3 =	sld [smem:$0x3FFC];
	_ =	sdelay $0x3  }
0x9a: {  	_ =	strace s3  }
0x9b: {  	s3 =	sld [smem:$0x3FFD];
	_ =	sdelay $0x3  }
0x9c: {  	_ =	strace s3  }
0x9d: {  	_ =	strace $0x8FFFFFFF  }
0x9e: {  	s18 =	sld [smem:$0x3FDB];
	_ =	sdelay $0x1  }
0x9f: {  	s19 =	simm.s32 $_scs_section_size  }
0xa0: {  	s5 =	simm.s32 $_size__tile_overlayer_lowered;
	s6 =	simm.s32 $_tile_overlayer_lowered  }
0xa1: {  	s22 =	simm.s32 $0x1BFF;
	s21 =	sshll.u32 s6, $0x1;
	s3 =	sadd.s32 s19, s18  }
0xa2: {  	s7 =	simm.s32 $0x0;
	s20 =	sshll.u32 s5, $0x1;
	s5 =	sadd.s32 s21, s3  }
0xa3: {  	[timem:s7], [sflag:s22] =	dma.local [hbm:s5], s20  }
0xa4: {  	_ =	swait.ge [sflag:s22], s20  }
0xa5: {  	s4 =	ssub.s32 $0x0, s20;
	[sflag:s22] =	ssyncset.done $0x0  }
0xa6: {  	[sflag:s22] =	ssyncadd.s32 s4;
	_ =	sdelay $0x1  }
0xa7: {  	s23 =	simm.s32 $0x1B8B  }
0xa8: {  	_ =	swait.ge [sflag:s23], $0x1  }
0xa9: {  	[sflag:s23] =	ssyncset.done $0x0  }
0xaa: {  	s25 =	simm.s32 $0x1B8E;
	s24 =	sld [smem:$0x3FFE];
	[sflag:s23] =	ssyncadd.s32 $0xFFFFFFFF  }
0xab: {  	s26 =	simm.s32 $execute0_lowered;
	[smem:$0x3FD2] =	sst s25  }
0xac: {  	s5 =	sshll.u32 s26, $0x1;
	_ =	strace $0x80000046;
	[dreg:$0x1] =	wrdreg $0xFFFFFFFF  }
0xad: {  	s28 =	simm.s32 $_size_execute0_lowered;
	s3 =	sadd.s32 s3, s5;
	[dreg:$0x0] =	wrdreg $0x0  }
0xae: {  	s5 =	sshll.u32 s28, $0x1;
	[dreg:$0x2] =	wrdreg s3  }
0xaf: {  	[dreg:$0x3] =	wrdreg s5  }
0xb0: {  	[dreg:$0x4] =	wrdreg $0xC0  }
0xb1: {  	_ =	task [dreg:s7], $0x5FFFF  }
0xb2: {  	[dreg:$0x1] =	wrdreg $0xFFFFFFFF  }
0xb3: {  	[dreg:$0x0] =	wrdreg $0x60  }
0xb4: {  	[dreg:$0x2] =	wrdreg s16  }
0xb5: {  	[dreg:$0x3] =	wrdreg s24  }
0xb6: {  	[dreg:$0x4] =	wrdreg $0x9  }
0xb7: {  	_ =	task.clear_ibuf [dreg:s7], $0x5FFFF;
	_ =	strace $0x90000046  }
0xb8: {  	s29 =	simm.s32 $0x9;
	_ =	strace $0x80000048  }
0xb9: {  	_ =	swait.ge [sflag:s29], $0x1  }
0xba: {  	[sflag:s29] =	ssyncadd.s32 $0xFFFFFFFF  }
0xbb: {  	_ =	strace $0x90000048  }
0xbc: {  	_ =	sfence  }
0xbd: {  	s30 =	sld [smem:$0x0];
	_ =	sdelay $0x2  }
0xbe: {  	s31 =	sshll.u32 s1, $0xD;
	s1 =	sshrl.u32 s1, $0x2  }
0xbf: {  	s3 =	sand.u32 $0x4000, s31;
	s1 =	sadd.s32 s1, s30  }
0xc0: {  	s0 =	sor.u32 s3, s0;
	s1 =	sshll.u32 s1, $0x11  }
0xc1: {  	s0 =	sor.u32 s1, s0  }
0xc2: {  	s0 =	sadd.s32 $0x8F2B, s0  }
0xc3: {  	[sflag:s0] =	ssyncadd.remote.s32 $0x1  }
0xc4: {  	_ =	sfence.sel $0xFFFF  }
0xc5: {  	[dreg:$0x0] =	wrdreg $0xFFFFFFFF;
	(pc) =	sbr.abs _section_cstart, $3  }
0xc6: {  	[dreg:$0x1] =	wrdreg $0xFFFFFFFF  }
0xc7: {  	_ =	task.clear_ibuf [dreg:s7], $0x2FFFF;
	_ =	strace $0x9FFFFFFF  }
0xc8: {  	(tm) =	ssettm $0x7FFFFFFF  }
0xc9: {  	_ =	shalt  }
tec
execute0_lowered:
.L_overlay_start_1:
0x0: {  	(tag) =	ssettag $0x1  }
0x1: {  	s4 =	rddreg [dreg:$0x0];
	s1 =	srdreg.scid  }
0x2: {  	s0 =	stileid.u32;
	s5 =	rddreg [dreg:$0x1]  }
0x3: {  	s2 =	simm.s32 $0x0;
	s12 =	simm.s32 $0x80;
	s13 =	simm.s32 $0x7800  }
0x4: {  	s14 =	simm.s32 $0x1;
	s15 =	simm.s32 $0x2;
	s16 =	simm.s32 $0x3680  }
0x5: {  	s17 =	simm.s32 $0x0;
	s6 =	sand.u32 $0x1, s1;
	s1 =	rddreg [dreg:$0x2]  }
0x6: {  	s3 =	sshll.u32 s0, $0x1;
	[smem:$0x7FF] =	sst s2;
	s10 =	smul.u32 $0x370000, s0  }
0x7: {  	s3 =	sor.u32 s6, s3;
	s9 =	ssub.s32 $0x2, s6;
	s6 =	smul.u32 $0x1B8000, s6  }
0x8: {  	s11 =	sadd.s32 $0x15000, s5;
	_ =	strace $0x80000047;
	s7 =	smul.u32 $0x700, s3  }
0x9: {  	s8 =	smul.u32 $0x1B8000, s3;
	s3 =	sadd.s32 $0xE00, s5;
	s26 =	sshrl.u32 s9, $0x1  }
0xa: {  	s5 =	ssub.s32 s9, s26;
	s29 =	sadd.s32 s6, s10;
	s4 =	sadd.s32 s4, s7  }
0xb: {  	s28 =	sshrl.u32 s8, $0x3;
	s5 =	smax.u32 s5, $0x1;
	s30 =	sshrl.u32 s29, $0x3  }
0xc: {  	s10 =	sor.u32 $0x4000, s29;
	s7 =	sadd.s32 s11, s28;
	s8 =	sadd.s32 s30, s11  }
0xd: {  	s31 =	sshrl.u32 s10, $0x3;
	s10 =	simm.s32 $0x3;
	s6 =	sadd.s32 $0x36000, s7  }
0xe: {  	s7 =	sadd.s32 $0x36800, s7;
	s9 =	sadd.s32 s31, s11;
	s11 =	simm.s32 $0x3800  }
.LBB2_1:
0xf: {  	[tilespmem:s2], [sflag:$0x3] =	stream.linear.gather [hbm4b:s4+s2], $0x3700, $0x38;
	[tilespmem:$0xB800] =	vst v63  }
0x10: {  	_ =	swait.ge [sflag:s10], $0x3700  }
0x11: {  	[sflag:s10] =	ssyncset.done $0x0  }
0x12: {  	[sflag:s10] =	ssyncadd.s32 $0xFFFFC900  }
0x13: {  	[tilespmem:s11], [sflag:$0x1] =	stream.indirect.gather [hbm4b:s3+s12], $0x80, s2, s12, $0xb8;
	[tilespmem:$0xB800] =	vst v63  }
0x14: {  	_ = 	snop  }
0x15: {  	[tilespmem:s13], [sflag:$0x2] =	stream.indirect.gather [hbm4b:s3+s12], $0x80, s12, s12, $0xb8;
	[tilespmem:$0xB800] =	vst v63  }
0x16: {  	_ =	swait.ge [sflag:s14], $0x4000  }
0x17: {  	[sflag:s14] =	ssyncset.done $0x0  }
0x18: {  	s18 =	sadd.s32 $0x0, s8;
	[sflag:s14] =	ssyncadd.s32 $0xFFFFC000  }
0x19: {  	[hbm4b:s18+s2] =	stream.linear.scatter [tilespmem:s11], [sflag:$0x3], $0x4000, $0x38;
	[tilespmem:$0xB800] =	vst v63  }
0x1a: {  	_ =	swait.ge [sflag:s10], $0x4000  }
0x1b: {  	[sflag:s10] =	ssyncset.done $0x0  }
0x1c: {  	s30 =	simm.s32 $0x100;
	[sflag:s10] =	ssyncadd.s32 $0xFFFFC000  }
0x1d: {  	[tilespmem:s11], [sflag:$0x1] =	stream.indirect.gather [hbm4b:s3+s12], $0x80, s30, s12, $0xb8;
	[tilespmem:$0xB800] =	vst v63  }
0x1e: {  	_ =	swait.ge [sflag:s15], $0x4000  }
0x1f: {  	[sflag:s15] =	ssyncset.done $0x0  }
0x20: {  	s31 =	sadd.s32 $0x0, s9;
	[sflag:s15] =	ssyncadd.s32 $0xFFFFC000  }
0x21: {  	[hbm4b:s31+s2] =	stream.linear.scatter [tilespmem:s13], [sflag:$0x3], $0x4000, $0x38;
	[tilespmem:$0xB800] =	vst v63  }
0x22: {  	_ =	swait.ge [sflag:s10], $0x4000  }
0x23: {  	s19 =	simm.s32 $0x80;
	s18 =	simm.s32 $0x1000;
	[sflag:s10] =	ssyncset.done $0x0  }
.LBB2_2:
0x24: {  	p0 =	sne.s32 s18, $0x35000;
	[sflag:s10] =	ssyncadd.s32 $0xFFFFC000;
	s19 =	sadd.s32 $0x100, s19  }
0x25: {  	[tilespmem:s13], [sflag:$0x2] =	stream.indirect.gather [hbm4b:s3+s12], $0x80, s19, s12, $0xb8;
	[tilespmem:$0xB800] =	vst v63  }
0x26: {  	s20 =	smov.u32 s18;
	s18 =	sadd.s32 $0x1000, s18;
	_ =	swait.ge [sflag:s14], $0x4000  }
0x27: {  	[sflag:s14] =	ssyncset.done $0x0  }
0x28: {  	s21 =	sadd.s32 s20, s8;
	[sflag:s14] =	ssyncadd.s32 $0xFFFFC000  }
0x29: {  	[hbm4b:s21+s2] =	stream.linear.scatter [tilespmem:s11], [sflag:$0x3], $0x4000, $0x38;
	[tilespmem:$0xB800] =	vst v63  }
0x2a: {  	_ =	swait.ge [sflag:s10], $0x4000  }
0x2b: {  	[sflag:s10] =	ssyncset.done $0x0  }
0x2c: {  	s21 =	sadd.s32 $0x80, s19;
	[sflag:s10] =	ssyncadd.s32 $0xFFFFC000  }
0x2d: {  	[tilespmem:s11], [sflag:$0x1] =	stream.indirect.gather [hbm4b:s3+s12], $0x80, s21, s12, $0xb8;
	[tilespmem:$0xB800] =	vst v63  }
0x2e: {  	_ =	swait.ge [sflag:s15], $0x4000  }
.Ltmp0:
0x2f: {  	[sflag:s15] =	ssyncset.done $0x0;
	(pc) =	sbr.rel @p0 .LBB2_2-.Ltmp0, $4  }
0x30: {  	s20 =	sadd.s32 s20, s9;
	[sflag:s15] =	ssyncadd.s32 $0xFFFFC000  }
0x31: {  	[hbm4b:s20+s2] =	stream.linear.scatter [tilespmem:s13], [sflag:$0x3], $0x4000, $0x38;
	[tilespmem:$0xB800] =	vst v63  }
0x32: {  	_ =	swait.ge [sflag:s10], $0x4000  }
0x33: {  	[sflag:s10] =	ssyncset.done $0x0  }
0x34: {  	[sflag:s10] =	ssyncadd.s32 $0xFFFFC000  }
0x35: {  	[tilespmem:s13], [sflag:$0x2] =	stream.indirect.gather [hbm4b:s3+s12], $0x80, s16, s12, $0xb8;
	[tilespmem:$0xB800] =	vst v63  }
0x36: {  	_ =	swait.ge [sflag:s14], $0x4000  }
0x37: {  	[sflag:s14] =	ssyncset.done $0x0  }
0x38: {  	[sflag:s14] =	ssyncadd.s32 $0xFFFFC000  }
0x39: {  	[hbm4b:s6+s2] =	stream.linear.scatter [tilespmem:s11], [sflag:$0x3], $0x4000, $0x38;
	[tilespmem:$0xB800] =	vst v63  }
0x3a: {  	_ =	swait.ge [sflag:s10], $0x4000  }
0x3b: {  	[sflag:s10] =	ssyncset.done $0x0  }
0x3c: {  	[sflag:s10] =	ssyncadd.s32 $0xFFFFC000  }
0x3d: {  	s17 =	sadd.s32 $0x1, s17;
	_ =	swait.ge [sflag:s15], $0x4000  }
0x3e: {  	p0 =	sne.s32 s17, s5;
	[sflag:s15] =	ssyncset.done $0x0  }
.Ltmp1:
0x3f: {  	[sflag:s15] =	ssyncadd.s32 $0xFFFFC000;
	(pc) =	sbr.rel @p0 .LBB2_1-.Ltmp1, $4  }
0x40: {  	[hbm4b:s7+s2] =	stream.linear.scatter [tilespmem:s13], [sflag:$0x3], $0x4000, $0x38;
	[tilespmem:$0xB800] =	vst v63  }
0x41: {  	_ =	swait.ge [sflag:s10], $0x4000  }
0x42: {  	[sflag:s10] =	ssyncset.done $0x0  }
0x43: {  	[sflag:s10] =	ssyncadd.s32 $0xFFFFC000  }
0x44: {  	_ =	sfence.sel $0x180000  }
0x45: {  	[bflag:$0x0] =	sbarrier.arrive $0xFFFF  }
0x46: {  	p0 =	sne.s32 s0, $0x0;
	_ =	strace $0x90000047  }
0x47: {  	s0 =	sadd.s32 @!p0 $0x100000, s1;
	[bflag:$0x2] =	sbarrier.arrive $0xFFFF  }
0x48: {  	[sflag:s0] =	ssyncadd.tile.s32 @!p0 $0x1;
	_ =	shalt  }
.Lfunc_end2:
_tile_overlayer_lowered:
.L_overlay_start_2:
0x49: {  	(tag) =	ssettag $0x2  }
0x4a: {  	s0 =	rddreg [dreg:$0x0];
	s2 =	stileid.u32  }
0x4b: {  	s1 =	rddreg [dreg:$0x1];
	p0 =	sne.s32 s2, $0x0  }
0x4c: {  	s3 =	rddreg [dreg:$0x2];
	[bflag:$0x3] =	sbarrier.arrive $0xFFFF;
	s2 =	simm.s32 @!p0 $0x1C03  }
0x4d: {  	[timem:s3], [sflag:s2] =	dma.local @!p0 [hbm:s0], s1  }
0x4e: {  	s0 =	simm.s32 @!p0 $0x3  }
0x4f: {  	_ =	swait.ge @!p0 [sflag:s0], s1  }
0x50: {  	s1 =	ssub.s32 @!p0 $0x0, s1;
	[sflag:s0] =	ssyncset.done @!p0 $0x0  }
0x51: {  	[sflag:s0] =	ssyncadd.s32 @!p0 s1  }
0x52: {  	[bflag:$0x3] =	sbarrier.arrive $0xFFFF  }
0x53: {  	_ =	shalt  }

// kernel: sparse-core-data-format-call.1.cloned.1.call-start
scs
called_computation.1_lowered:
.L_overlay_start_0:
0x0: {  	s2 =	sld [smem:$0x3FD9]  }
0x1: {  	s3 =	sld [smem:$0x3FFE];
	_ =	sdelay $0x1  }
0x2: {  	s1 =	srdreg.scid  }
0x3: {  	s0 =	sand.u32 $0x1, s1  }
0x4: {  	s15 =	sshll.u32 s0, $0xA;
	s2 =	sadd.s32 s3, s2  }
0x5: {  	s2 =	sadd.s32 s2, s15  }
0x6: {  	[smem:$0x3FC4] =	sst s2  }
0x7: {  	_ = 	snop  }
0x8: {  	s2 =	sld [smem:$0x3FD0];
	_ =	sdelay $0x2  }
0x9: {  	s16 =	simm.s32 $0xB;
	s4 =	simm.s32 $0x10  }
0xa: {  	[smem:s4], [sflag:s16] =	dma.local [hbm:s2], $0x1  }
0xb: {  	_ =	swait.eq [sflag:s16], $0x1  }
0xc: {  	[sflag:s16] =	ssyncset.done $0x0  }
0xd: {  	[sflag:s16] =	ssyncadd.s32 $0xFFFFFFFF  }
0xe: {  	s17 =	sld [smem:$0x10];
	(tm) =	ssettm $0x1  }
0xf: {  	s18 =	sld [smem:$0x3FFB];
	_ =	sdelay $0x3  }
0x10: {  	_ =	strace s18  }
0x11: {  	s3 =	sld [smem:$0x3FFC];
	_ =	sdelay $0x3  }
0x12: {  	_ =	strace s3  }
0x13: {  	s3 =	sld [smem:$0x3FFD];
	_ =	sdelay $0x3  }
0x14: {  	_ =	strace s3  }
0x15: {  	_ =	strace $0x8FFFFFFF  }
0x16: {  	s19 =	sld [smem:$0x3FDB];
	_ =	sdelay $0x1  }
0x17: {  	s20 =	simm.s32 $_scs_section_size  }
0x18: {  	s5 =	simm.s32 $_size__tile_overlayer_lowered;
	s6 =	simm.s32 $_tile_overlayer_lowered  }
0x19: {  	s23 =	simm.s32 $0x1BFF;
	s22 =	sshll.u32 s6, $0x1;
	s3 =	sadd.s32 s20, s19  }
0x1a: {  	s7 =	simm.s32 $0x0;
	s21 =	sshll.u32 s5, $0x1;
	s5 =	sadd.s32 s22, s3  }
0x1b: {  	[timem:s7], [sflag:s23] =	dma.local [hbm:s5], s21  }
0x1c: {  	_ =	swait.ge [sflag:s23], s21  }
0x1d: {  	s4 =	ssub.s32 $0x0, s21;
	[sflag:s23] =	ssyncset.done $0x0  }
0x1e: {  	[sflag:s23] =	ssyncadd.s32 s4;
	_ =	sdelay $0x1  }
0x1f: {  	s24 =	simm.s32 $0x1B8B  }
0x20: {  	_ =	swait.ge [sflag:s24], $0x1  }
0x21: {  	[sflag:s24] =	ssyncset.done $0x0  }
0x22: {  	s26 =	simm.s32 $0x1B8E;
	s25 =	sld [smem:$0x3FFE];
	[sflag:s24] =	ssyncadd.s32 $0xFFFFFFFF  }
0x23: {  	s27 =	simm.s32 $execute0_lowered;
	[smem:$0x3FD2] =	sst s26  }
0x24: {  	s5 =	sshll.u32 s27, $0x1;
	_ =	strace $0x80000049;
	[dreg:$0x1] =	wrdreg $0xFFFFFFFF  }
0x25: {  	s28 =	simm.s32 $_size_execute0_lowered;
	s3 =	sadd.s32 s3, s5;
	[dreg:$0x0] =	wrdreg $0x0  }
0x26: {  	s5 =	sshll.u32 s28, $0x1;
	[dreg:$0x2] =	wrdreg s3  }
0x27: {  	[dreg:$0x3] =	wrdreg s5  }
0x28: {  	[dreg:$0x4] =	wrdreg $0xC0  }
0x29: {  	_ =	task [dreg:s7], $0x5FFFF  }
0x2a: {  	[dreg:$0x1] =	wrdreg $0xFFFFFFFF  }
0x2b: {  	[dreg:$0x0] =	wrdreg $0x60  }
0x2c: {  	[dreg:$0x2] =	wrdreg s25  }
0x2d: {  	[dreg:$0x3] =	wrdreg s17  }
0x2e: {  	[dreg:$0x4] =	wrdreg $0xA  }
0x2f: {  	_ =	task.clear_ibuf [dreg:s7], $0x5FFFF;
	_ =	strace $0x90000049  }
0x30: {  	s29 =	simm.s32 $0xA;
	_ =	strace $0x8000004B  }
0x31: {  	_ =	swait.ge [sflag:s29], $0x1  }
0x32: {  	[sflag:s29] =	ssyncadd.s32 $0xFFFFFFFF  }
0x33: {  	_ =	strace $0x9000004B  }
0x34: {  	_ =	sfence  }
0x35: {  	s30 =	sld [smem:$0x0];
	_ =	sdelay $0x2  }
0x36: {  	s31 =	sshll.u32 s1, $0xD;
	s1 =	sshrl.u32 s1, $0x2  }
0x37: {  	s3 =	sand.u32 $0x4000, s31;
	s1 =	sadd.s32 s1, s30  }
0x38: {  	s0 =	sor.u32 s3, s0;
	s1 =	sshll.u32 s1, $0x11  }
0x39: {  	s0 =	sor.u32 s1, s0  }
0x3a: {  	s0 =	sadd.s32 $0x8F2B, s0  }
0x3b: {  	[sflag:s0] =	ssyncadd.remote.s32 $0x1  }
0x3c: {  	_ =	sfence.sel $0xFFFF  }
0x3d: {  	[dreg:$0x0] =	wrdreg $0xFFFFFFFF;
	(pc) =	sbr.abs _section_cstart, $3  }
0x3e: {  	[dreg:$0x1] =	wrdreg $0xFFFFFFFF  }
0x3f: {  	_ =	task.clear_ibuf [dreg:s7], $0x2FFFF;
	_ =	strace $0x9FFFFFFF  }
0x40: {  	(tm) =	ssettm $0x7FFFFFFF  }
0x41: {  	_ =	shalt  }
tec
execute0_lowered:
.L_overlay_start_1:
0x0: {  	(tag) =	ssettag $0x1  }
0x1: {  	s5 =	rddreg [dreg:$0x0]  }
0x2: {  	s0 =	srdreg.scid;
	s3 =	rddreg [dreg:$0x1];
	s31 =	simm.s32 $0x2  }
0x3: {  	s15 =	simm.s32 $0x0;
	p0 =	por $0x0, $0x0;
	s1 =	sshll.u32 s0, $0x4  }
0x4: {  	s8 =	simm.s32 $0x61C00;
	s0 =	stileid.u32;
	s1 =	sand.u32 $0x10, s1  }
0x5: {  	s14 =	simm.s32 $0x0;
	s9 =	simm.s32 $0x0;
	s1 =	sor.u32 s0, s1  }
0x6: {  	s10 =	simm.s32 $0x0;
	s11 =	simm.s32 $0x0;
	s2 =	sshll.u32 s1, $0x7  }
.Ltmp0:
0x7: {  	s13 =	simm.s32 $0x0;
	s4 =	ssub.s32 $0xC300, s2;
	(pc) =	sbr.rel .LBB1_1-.Ltmp0, $4  }
0x8: {  	s23 =	simm.s32 $0x0;
	s1 =	rddreg [dreg:$0x2];
	s6 =	sshrl.u32 s4, $0xC  }
0x9: {  	_ =	strace $0x8000004A;
	s4 =	simm.s32 $0x1;
	s7 =	smul.u32 $0x9, s6  }
0xa: {  	s5 =	sadd.s32 $0x1B8EA00, s5;
	s12 =	smov.u32 s2;
	[sflag:s4] =	ssyncpa.u1 $0x0  }
0xb: {  	[sflag:s31] =	ssyncpa.u1 $0x0;
	s6 =	sadd.s32 $0x9, s7;
	s7 =	sadd.s32 $0xA, s7  }
.LBB1_11:
0xc: {  	p1 =	sgt.s32 s9, $0x8;
	s19 =	smov.u32 s9;
	s20 =	sand.u32 $0x7F, s10  }
0xd: {  	s21 =	smov.u32 s10;
	s31 =	sshll.u32 s10, $0x3;
	s19 =	simm.s32 @!p1 $0x8  }
0xe: {  	s18 =	smul.u32 $0x1020, s18;
	p1 =	sgt.s32 s10, $0xC300;
	s17 =	sadd.s32 s17, s19  }
0xf: {  	s21 =	simm.s32 @!p1 $0xC300;
	s19 =	sand.u32 $0xFFFFFC00, s31;
	s22 =	ssub.s32 $0x9, s17  }
0x10: {  	s20 =	sor.u32 s20, s19;
	s17 =	sadd.s32 $0xFFFFFFF8, s17;
	s19 =	smulhi.u32 $0xA79C7B17, s19  }
0x11: {  	s16 =	sadd.s32 s16, s21;
	s21 =	smul.u32 $0x18, s22;
	p1 =	sgt.s32 s17, $0x0  }
0x12: {  	s24 =	sadd.s32 $0xFFFF3D00, s16;
	s16 =	ssub.s32 $0xC380, s16;
	s25 =	smulhi.u32 $0xA79C7B17, s20  }
0x13: {  	s19 =	sshrl.u32 s19, $0xF;
	s21 =	simm.s32 @p1 $0x0;
	p1 =	sgt.s32 s24, $0x7F  }
0x14: {  	s26 =	smulhi.u32 $0xAAAAAAB, s19;
	s16 =	simm.s32 @p1 $0x0  }
0x15: {  	s16 =	smul.u32 s16, s21  }
0x16: {  	s17 =	sshrl.u32 s25, $0xF;
	s21 =	smul.u32 $0x18, s26  }
0x17: {  	s17 =	smul.u32 $0xC380, s17  }
0x18: {  	s27 =	smul.u32 $0x24A80, s9;
	s19 =	ssub.s32 s19, s21  }
0x19: {  	s17 =	ssub.s32 s20, s17;
	s19 =	smul.u32 $0x1870, s19  }
0x1a: {  	s28 =	sadd.s32 s3, s27;
	s18 =	sor.u32 $0x2000, s18;
	s29 =	sand.u32 $0x7, s17  }
0x1b: {  	s17 =	sshrl.u32 s17, $0x3;
	s30 =	sshll.u32 s29, $0x12;
	s19 =	sadd.s32 s19, s28  }
0x1c: {  	s16 =	sand.u32 $0x3FFFFFF8, s16;
	s31 =	sor.u32 $0x400, s30;
	s17 =	sadd.s32 s17, s19  }
0x1d: {  	[hbm4b:s17+s31] =	stream.strided.scatter [tilespmem:s18], [sflag:$0x2], s16, s8, s31, $0x20;
	[tilespmem:$0x4040] =	vst v63  }
.LBB1_12:
0x1e: {  	p1 =	slt.u32 s13, $0x2  }
0x1f: {  	s17 =	smov.u32 s15;
	p2 =	sgt.s32 @!p1 s15, $0x8;
	s16 =	sshra.s32 @!p1 s15, $0x1F  }
0x20: {  	p3 =	sgt.s32 @!p1 s14, $0xC300;
	s18 =	sshra.s32 @!p1 s14, $0x1F;
	p2 =	por !p2, p1  }
0x21: {  	s15 =	sand.u32 @!p1 s16, s15;
	p3 =	por !p3, p1;
	s16 =	smov.u32 s14  }
0x22: {  	s14 =	sand.u32 @!p1 s18, s14;
	s17 =	simm.s32 @p2 $0x8;
	s16 =	simm.s32 @p3 $0xC300  }
0x23: {  	s18 =	smov.u32 s12;
	s15 =	ssub.s32 @!p1 s17, s15;
	s14 =	ssub.s32 @!p1 s16, s14  }
0x24: {  	s16 =	sadd.s32 @!p1 $0xFFFFFFF8, s15;
	s15 =	ssub.s32 @!p1 $0x9, s15;
	s17 =	sadd.s32 @!p1 $0xFFFF3D00, s14  }
0x25: {  	p2 =	sgt.s32 @!p1 s16, $0x0;
	s15 =	smul.u32 @!p1 $0x18, s15;
	p3 =	sgt.s32 @!p1 s17, $0x7F  }
0x26: {  	s14 =	ssub.s32 @!p1 $0xC380, s14;
	p2 =	por !p2, p1;
	p3 =	por !p3, p1  }
0x27: {  	s16 =	sadd.s32 $0x1, s11;
	s15 =	simm.s32 @!p2 $0x0;
	s14 =	simm.s32 @!p3 $0x0  }
0x28: {  	p2 =	sgt.s32 s16, $0x8;
	s14 =	smul.u32 @!p1 s14, s15;
	s15 =	sadd.s32 $0x1000, s12  }
0x29: {  	s18 =	smov.u32 @p2 s15  }
0x2a: {  	s16 =	simm.s32 @p2 $0x0;
	p2 =	sgt.s32 s18, $0xC34F  }
0x2b: {  	s18 =	smov.u32 @p2 s2;
	p2 =	sne.s32 s13, s7  }
.Ltmp1:
0x2c: {  	p0 =	por !p0, !p0;
	s17 =	simm.s32 @!p1 $0x2;
	(pc) =	sbr.rel @!p2 .LBB1_13-.Ltmp1, $4  }
0x2d: {  	s15 =	smov.u32 s9;
	s9 =	smov.u32 s11;
	s14 =	sand.u32 @!p1 $0x3FFFFFF8, s14  }
0x2e: {  	s11 =	smov.u32 s16;
	_ =	swait.ge @!p1 [sflag:s17], s14;
	s19 =	ssub.s32 @!p1 $0x0, s14  }
0x2f: {  	s14 =	smov.u32 s10;
	s13 =	sadd.s32 $0x1, s13;
	[sflag:s17] =	ssyncset.done @!p1 $0x0  }
0x30: {  	s10 =	smov.u32 s12;
	s12 =	smov.u32 s18;
	[sflag:s17] =	ssyncadd.s32 @!p1 s19  }
.LBB1_1:
0x31: {  	p1 =	sge.u32 s13, s6  }
0x32: {  	p2 =	sgt.s32 @!p1 s12, $0xC2D0  }
0x33: {  	s16 =	smov.u32 s12;
	s18 =	smov.u32 s11;
	p2 =	por !p2, p1  }
0x34: {  	s17 =	sshra.s32 @!p1 s12, $0x1F;
	s16 =	simm.s32 @p2 $0xC2D0;
	p2 =	sgt.s32 @!p1 s11, $0xF  }
0x35: {  	s19 =	sshra.s32 @!p1 s11, $0x1F;
	s17 =	sand.u32 @!p1 s17, s12;
	p2 =	por !p2, p1  }
0x36: {  	s16 =	ssub.s32 @!p1 s16, s17;
	s17 =	sand.u32 @!p1 s19, s11;
	s18 =	simm.s32 @p2 $0xF  }
0x37: {  	s19 =	sshll.u32 @!p1 s11, $0x4;
	s16 =	sadd.s32 @!p1 $0xFFFF3D30, s16;
	s17 =	ssub.s32 @!p1 s18, s17  }
0x38: {  	p2 =	sgt.s32 @!p1 s16, $0x7F;
	s16 =	sshll.u32 @!p1 s16, $0x5;
	s18 =	sadd.s32 @!p1 $0xFFFFFFF1, s17  }
0x39: {  	s17 =	ssub.s32 @!p1 $0x10, s17;
	s16 =	ssub.s32 @!p1 $0x1000, s16;
	p3 =	sgt.s32 @!p1 s18, $0x0  }
0x3a: {  	p2 =	por !p2, p1;
	s18 =	sxor.u32 @!p1 $0xFFFFFFFF, s13;
	p3 =	por !p3, p1  }
0x3b: {  	s16 =	simm.s32 @!p2 $0x0;
	s18 =	sshll.u32 @!p1 s18, $0xC;
	s17 =	simm.s32 @!p3 $0x0  }
0x3c: {  	s16 =	smul.u32 @!p1 s17, s16;
	s17 =	sand.u32 @!p1 $0x1000, s18;
	s18 =	sshll.u32 @!p1 s12, $0x8  }
0x3d: {  	s20 =	simm.s32 @!p1 $0x800;
	s19 =	sand.u32 @!p1 $0xF0, s19;
	s18 =	sadd.s32 @!p1 s5, s18  }
0x3e: {  	s16 =	sand.u32 @!p1 $0x3FFFFFE0, s16;
	s18 =	sadd.s32 @!p1 s19, s18;
	s19 =	simm.s32 @!p1 $0x20  }
0x3f: {  	[tilespmem:s17], [sflag:$0x1] =	stream.strided.gather @!p1 [hbm4b:s18+s19], s16, s20, s19, $0x38;
	[tilespmem:$0x4040] =	vst v63  }
0x40: {  	p1 =	seq.s32 s13, $0x0  }
0x41: {  	p2 =	sge.u32 @!p1 s13, s7  }
0x42: {  	p1 =	por p1, p2  }
.Ltmp2:
0x43: {  	_ = 	snop;
	(pc) =	sbr.rel @p1 .LBB1_12-.Ltmp2, $1  }
0x44: {  	_ =	sdelay $0x3  }
0x45: {  	s16 =	ssub.s32 $0x0, s10  }
0x46: {  	s17 =	sshra.s32 s10, $0x1F;
	p1 =	sgt.s32 s10, $0xC2D0;
	s18 =	smov.u32 s10  }
0x47: {  	s30 =	ssub.s32 $0x0, s9;
	s19 =	sshra.s32 s9, $0x1F;
	s20 =	smov.u32 s9  }
0x48: {  	s16 =	sand.u32 s16, s17;
	s18 =	simm.s32 @!p1 $0xC2D0;
	p1 =	sgt.s32 s9, $0xF  }
0x49: {  	s17 =	sand.u32 s30, s19;
	s18 =	sadd.s32 s16, s18;
	s20 =	simm.s32 @!p1 $0xF  }
0x4a: {  	s21 =	sadd.s32 $0x1, s9;
	s18 =	sadd.s32 $0xFFFF3D30, s18;
	s19 =	sadd.s32 s17, s20  }
0x4b: {  	p1 =	sgt.s32 s18, $0x7F;
	s20 =	sadd.s32 $0xFFFFFFF1, s19;
	s18 =	sshll.u32 s18, $0x5  }
0x4c: {  	p2 =	sgt.s32 s20, $0x0;
	s18 =	ssub.s32 $0x1000, s18;
	s20 =	sadd.s32 $0x80, s10  }
0x4d: {  	s19 =	ssub.s32 $0x10, s19;
	s18 =	simm.s32 @p1 $0x0;
	p1 =	slt.s32 s20, $0xC350  }
0x4e: {  	s19 =	simm.s32 @p2 $0x0;
	s20 =	simm.s32 @!p1 $0xC350;
	p1 =	slt.s32 s21, $0x9  }
0x4f: {  	s18 =	smul.u32 s19, s18;
	s19 =	ssub.s32 s20, s10;
	s21 =	simm.s32 @!p1 $0x9  }
0x50: {  	s20 =	ssub.s32 s21, s9;
	p1 =	slt.s32 s19, $0x1  }
0x51: {  	p2 =	slt.s32 @!p1 s20, $0x1  }
0x52: {  	p2 =	por p1, p2  }
.Ltmp3:
0x53: {  	_ = 	snop;
	(pc) =	sbr.rel @p2 .LBB1_11-.Ltmp3, $4  }
0x54: {  	s18 =	sand.u32 $0x3FFFFFE0, s18  }
0x55: {  	_ =	swait.ge [sflag:s4], s18  }
0x56: {  	s31 =	ssub.s32 $0x0, s18;
	[sflag:s4] =	ssyncset.done $0x0  }
0x57: {  	s18 =	sand.u32 $0x1, s13;
	[sflag:s4] =	ssyncadd.s32 s31  }
0x58: {  	s21 =	simm.s32 $0x1  }
0x59: {  	s21 =	simm.s32 @!p0 $0x0  }
0x5a: {  	s21 =	smul.u32 $0x4080, s21;
	_ =	sdelay $0x1  }
0x5b: {  	s24 =	simm.s32 $0x0;
	s22 =	sshrl.u32 s21, $0x2  }
0x5c: {  	s25 =	simm.s32 $0x0;
	s21 =	sshll.u32 @!p1 s18, $0xC;
	s22 =	sor.u32 $0x2000, s22  }
.LBB1_4:
0x5d: {  	s26 =	sshll.u32 s25, $0x7  }
0x5e: {  	s27 =	sshrl.u32 s25, $0x7;
	s28 =	sshrl.u32 s25, $0x4;
	s26 =	sshra.s32 s26, $0x2  }
0x5f: {  	s27 =	sand.u32 $0x3, s27;
	s28 =	sand.u32 $0x18, s28;
	s26 =	sadd.s32 s26, s21  }
0x60: {  	s27 =	smul.u32 $0x1020, s27;
	s28 =	sxor.u32 $0x10, s28;
	v0 =	vmov s26  }
0x61: {  	s31 =	sshll.u32 s24, $0x2;
	p2 =	sne.s32 s20, $0x1;
	s28 =	smul.u32 $0x204, s28  }
.Ltmp4:
0x62: {  	s26 =	sand.u32 $0x1FC, s31;
	(pc) =	sbr.rel @!p2 .LBB1_5-.Ltmp4, $4  }
0x63: {  	s27 =	sadd.s32 s26, s27  }
0x64: {  	s29 =	sand.u32 $0xE0, s23;
	s26 =	sadd.s32 s26, s28;
	s27 =	sshrl.u32 s27, $0x2  }
0x65: {  	p1 =	por $0x0, $0x0;
	s28 =	sshrl.u32 s26, $0x2;
	s26 =	sadd.s32 s27, s22;
	v3 =	vld.idx.msk [tilespmem:v0+s29+$0x10 ss:$0x1], $0xffff  }
0x66: {  	s27 =	sadd.s32 s28, s22;
	s28 =	sadd.s32 $0xFFFFFFFF, s20;
	v4 =	vld.idx.msk [tilespmem:v0+s29+$0x0 ss:$0x1], $0xffff;
	s29 =	simm.s32 $0x20  }
0x67: {  	_ =	sdelay $0x1  }
0x68: {  	p2 =	sne.s32 s28, $0x1  }
.Ltmp5:
0x69: {  	s30 =	sand.u32 $0xE0, s29;
	(pc) =	sbr.rel @!p2 .LBB1_7-.Ltmp5, $4  }
0x6a: {  	v2 =	vld.idx.msk [tilespmem:v0+s30+$0x10 ss:$0x1], $0xffff  }
0x6b: {  	v1 =	vld.idx.msk [tilespmem:v0+s30+$0x0 ss:$0x1], $0xffff  }
0x6c: {  	s29 =	sadd.s32 $0xFFFFFFFF, s28;
	p1 =	por $0x1, $0x1;
	[tilespmem:s27+$0x0 ss:$0x81] =	vst.msk $0xffff, v3  }
0x6d: {  	s28 =	smov.u32 s26;
	s30 =	simm.s32 $0x40;
	s27 =	sadd.s32 $0x1020, s27;
	[tilespmem:s26+$0x0 ss:$0x81] =	vst.msk $0xffff, v4  }
.LBB1_8:
0x6e: {  	s31 =	sand.u32 $0xE0, s30;
	p2 =	sne.s32 s29, $0x1;
	s29 =	sadd.s32 $0xFFFFFFFF, s29  }
.Ltmp6:
0x6f: {  	s28 =	sadd.s32 $0x1020, s28;
	[tilespmem:s27+$0x0 ss:$0x81] =	vst.msk $0xffff, v2;
	v2 =	vld.idx.msk [tilespmem:v0+s31+$0x10 ss:$0x1], $0xffff;
	(pc) =	sbr.rel @p2 .LBB1_8-.Ltmp6, $2  }
0x70: {  	[tilespmem:s28+$0x0 ss:$0x81] =	vst.msk $0xffff, v1;
	v1 =	vld.idx.msk [tilespmem:v0+s31+$0x0 ss:$0x1], $0xffff;
	_ =	sdelay $0x2  }
0x71: {  	s30 =	sadd.s32 $0x20, s30;
	s27 =	sadd.s32 $0x1020, s27  }
0x72: {  	_ = 	snop  }
0x73: {  	v3 =	vmov v2;
	v4 =	vmov v1  }
.LBB1_10:
0x74: {  	s28 =	sadd.s32 @p1 $0x1020, s28;
	s25 =	sadd.s32 $0x1, s25  }
0x75: {  	s26 =	smov.u32 @p1 s28;
	p1 =	sne.s32 s25, s19  }
.Ltmp7:
0x76: {  	_ = 	snop;
	(pc) =	sbr.rel @p1 .LBB1_4-.Ltmp7, $4  }
.Ltmp8:
0x77: {  	_ = 	snop;
	(pc) =	sbr.rel @!p1 .LBB1_11-.Ltmp8, $4  }
0x78: {  	_ = 	snop  }
0x79: {  	[tilespmem:s27+$0x0 ss:$0x81] =	vst.msk $0xffff, v3  }
0x7a: {  	s24 =	sadd.s32 $0x1, s24;
	[tilespmem:s26+$0x0 ss:$0x81] =	vst.msk $0xffff, v4  }
0x7b: {  	_ = 	snop  }
.LBB1_5:
.Ltmp9:
0x7c: {  	(pc) =	sbr.rel .LBB1_10-.Ltmp9, $2  }
0x7d: {  	_ =	sdelay $0x2  }
0x7e: {  	s28 =	smov.u32 s26  }
.LBB1_7:
.Ltmp10:
0x7f: {  	(pc) =	sbr.rel .LBB1_10-.Ltmp10, $2  }
0x80: {  	_ =	sdelay $0x2  }
0x81: {  	s28 =	smov.u32 s26;
	v3 =	vmov v2;
	v4 =	vmov v1  }
.LBB1_13:
0x82: {  	_ =	sfence.sel $0x180000  }
0x83: {  	s2 =	simm.s32 $0x1;
	[bflag:$0x0] =	sbarrier.arrive $0xFFFF  }
0x84: {  	s31 =	simm.s32 $0x2;
	[sflag:s2] =	ssyncpa.u1 $0x1  }
0x85: {  	[sflag:s31] =	ssyncpa.u1 $0x1  }
0x86: {  	p0 =	sne.s32 s0, $0x0;
	_ =	strace $0x9000004A  }
0x87: {  	s0 =	sadd.s32 @!p0 $0x100000, s1;
	[bflag:$0x2] =	sbarrier.arrive $0xFFFF  }
0x88: {  	[sflag:s0] =	ssyncadd.tile.s32 @!p0 $0x1;
	_ =	shalt  }
.Lfunc_end1:
_tile_overlayer_lowered:
.L_overlay_start_2:
0x89: {  	(tag) =	ssettag $0x2  }
0x8a: {  	s0 =	rddreg [dreg:$0x0];
	s2 =	stileid.u32  }
0x8b: {  	s1 =	rddreg [dreg:$0x1];
	p0 =	sne.s32 s2, $0x0  }
0x8c: {  	s3 =	rddreg [dreg:$0x2];
	[bflag:$0x3] =	sbarrier.arrive $0xFFFF;
	s2 =	simm.s32 @!p0 $0x1C01  }
0x8d: {  	[timem:s3], [sflag:s2] =	dma.local @!p0 [hbm:s0], s1  }
0x8e: {  	s0 =	simm.s32 @!p0 $0x1  }
0x8f: {  	_ =	swait.ge @!p0 [sflag:s0], s1  }
0x90: {  	s1 =	ssub.s32 @!p0 $0x0, s1;
	[sflag:s0] =	ssyncset.done @!p0 $0x0  }
0x91: {  	[sflag:s0] =	ssyncadd.s32 @!p0 s1  }
0x92: {  	[bflag:$0x3] =	sbarrier.arrive $0xFFFF  }
0x93: {  	_ =	shalt  }

// kernel: sparse-core-data-format-call.cloned.1.call-start
scs
called_computation_lowered:
.L_overlay_start_0:
0x0: {  	s2 =	sld [smem:$0x3FD9]  }
0x1: {  	s3 =	sld [smem:$0x3FFE];
	_ =	sdelay $0x1  }
0x2: {  	s1 =	srdreg.scid  }
0x3: {  	s0 =	sand.u32 $0x1, s1  }
0x4: {  	s16 =	sshll.u32 s0, $0xA;
	s2 =	sadd.s32 s3, s2  }
0x5: {  	s2 =	sadd.s32 s2, s16  }
0x6: {  	[smem:$0x3FC4] =	sst s2  }
0x7: {  	_ = 	snop  }
0x8: {  	s2 =	sld [smem:$0x3FD0];
	_ =	sdelay $0x2  }
0x9: {  	s17 =	simm.s32 $0xB;
	s4 =	simm.s32 $0x10  }
0xa: {  	[smem:s4], [sflag:s17] =	dma.local [hbm:s2], $0x1  }
0xb: {  	_ =	swait.eq [sflag:s17], $0x1  }
0xc: {  	[sflag:s17] =	ssyncset.done $0x0  }
0xd: {  	[sflag:s17] =	ssyncadd.s32 $0xFFFFFFFF  }
0xe: {  	s18 =	sld [smem:$0x11];
	(tm) =	ssettm $0x1  }
0xf: {  	s19 =	sld [smem:$0x3FFB];
	_ =	sdelay $0x3  }
0x10: {  	_ =	strace s19  }
0x11: {  	s2 =	sld [smem:$0x3FFC];
	_ =	sdelay $0x3  }
0x12: {  	_ =	strace s2  }
0x13: {  	s2 =	sld [smem:$0x3FFD];
	_ =	sdelay $0x3  }
0x14: {  	_ =	strace s2  }
0x15: {  	_ =	strace $0x8FFFFFFF  }
0x16: {  	s20 =	sld [smem:$0x3FDB];
	_ =	sdelay $0x1  }
0x17: {  	s21 =	simm.s32 $_scs_section_size  }
0x18: {  	s5 =	simm.s32 $_size__tile_overlayer_lowered;
	s6 =	simm.s32 $_tile_overlayer_lowered  }
0x19: {  	s7 =	simm.s32 $0x1BFF;
	s22 =	sshll.u32 s6, $0x1;
	s4 =	sadd.s32 s21, s20  }
0x1a: {  	s23 =	simm.s32 $0x0;
	s5 =	sshll.u32 s5, $0x1;
	s6 =	sadd.s32 s22, s4  }
0x1b: {  	[timem:s23], [sflag:s7] =	dma.local [hbm:s6], s5  }
0x1c: {  	_ =	swait.ge [sflag:s7], s5  }
0x1d: {  	s5 =	ssub.s32 $0x0, s5;
	[sflag:s7] =	ssyncset.done $0x0  }
0x1e: {  	[sflag:s7] =	ssyncadd.s32 s5;
	_ =	sdelay $0x1  }
0x1f: {  	s24 =	simm.s32 $0x1B8B  }
0x20: {  	_ =	swait.ge [sflag:s24], $0x1  }
0x21: {  	[sflag:s24] =	ssyncset.done $0x0  }
0x22: {  	[sflag:s24] =	ssyncadd.s32 $0xFFFFFFFF  }
0x23: {  	s5 =	sld [smem:$0x0]  }
0x24: {  	s6 =	sand.u32 $0xFFFFFFFE, s1  }
0x25: {  	p0 =	sne.s32 s1, s6  }
0x26: {  	s6 =	sshll.u32 @p0 s6, $0xE  }
0x27: {  	s6 =	sadd.s32 @p0 $0x11B8D, s6;
	s7 =	sshll.u32 @p0 s5, $0x11  }
0x28: {  	s6 =	sor.u32 @p0 s7, s6  }
0x29: {  	[sflag:s6] =	ssyncadd.remote.s32 @p0 $0x1;
	_ =	sdelay $0x1  }
0x2a: {  	s6 =	simm.s32 @p0 $0x1B8D  }
0x2b: {  	_ =	swait.eq @p0 [sflag:s6], $0x1  }
0x2c: {  	[sflag:s6] =	ssyncadd.s32 @p0 $0xFFFFFFFF  }
0x2d: {  	s7 =	sshll.u32 @!p0 s1, $0xE  }
0x2e: {  	s7 =	sor.u32 @!p0 $0x4000, s7;
	s6 =	simm.s32 @!p0 $0x1B8D  }
0x2f: {  	s5 =	sshll.u32 @!p0 s5, $0x11;
	s7 =	sadd.s32 @!p0 $0x11B8D, s7;
	_ =	swait.eq @!p0 [sflag:s6], $0x1  }
0x30: {  	s5 =	sor.u32 @!p0 s5, s7;
	[sflag:s6] =	ssyncadd.s32 @!p0 $0xFFFFFFFF  }
0x31: {  	s26 =	simm.s32 $0x1B8E;
	s25 =	sld [smem:$0x3FFE];
	[sflag:s5] =	ssyncadd.remote.s32 @!p0 $0x1  }
0x32: {  	s27 =	simm.s32 $execute0_lowered;
	[smem:$0x3FD2] =	sst s26  }
0x33: {  	s6 =	sshll.u32 s27, $0x1;
	_ =	strace $0x8000004C;
	[dreg:$0x1] =	wrdreg $0xFFFFFFFF  }
0x34: {  	s28 =	simm.s32 $_size_execute0_lowered;
	s4 =	sadd.s32 s4, s6;
	[dreg:$0x0] =	wrdreg $0x0  }
0x35: {  	s6 =	sshll.u32 s28, $0x1;
	[dreg:$0x2] =	wrdreg s4  }
0x36: {  	[dreg:$0x3] =	wrdreg s6  }
0x37: {  	[dreg:$0x4] =	wrdreg $0xC0  }
0x38: {  	_ =	task [dreg:s23], $0x5FFFF  }
0x39: {  	[dreg:$0x1] =	wrdreg $0xFFFFFFFF  }
0x3a: {  	[dreg:$0x0] =	wrdreg $0x60  }
0x3b: {  	[dreg:$0x2] =	wrdreg s25  }
0x3c: {  	[dreg:$0x3] =	wrdreg s18  }
0x3d: {  	[dreg:$0x4] =	wrdreg $0x9  }
0x3e: {  	_ =	task.clear_ibuf [dreg:s23], $0x5FFFF;
	_ =	strace $0x9000004C  }
0x3f: {  	s29 =	simm.s32 $0x9;
	_ =	strace $0x8000004E  }
0x40: {  	_ =	swait.ge [sflag:s29], $0x1  }
0x41: {  	[sflag:s29] =	ssyncadd.s32 $0xFFFFFFFF  }
0x42: {  	_ =	strace $0x9000004E  }
0x43: {  	_ =	sfence  }
0x44: {  	s30 =	sld [smem:$0x0];
	_ =	sdelay $0x2  }
0x45: {  	s31 =	sshll.u32 s1, $0xD;
	s1 =	sshrl.u32 s1, $0x2  }
0x46: {  	s4 =	sand.u32 $0x4000, s31;
	s1 =	sadd.s32 s1, s30  }
0x47: {  	s0 =	sor.u32 s4, s0;
	s1 =	sshll.u32 s1, $0x11  }
0x48: {  	s0 =	sor.u32 s1, s0  }
0x49: {  	s0 =	sadd.s32 $0x8F2B, s0  }
0x4a: {  	[sflag:s0] =	ssyncadd.remote.s32 $0x1  }
0x4b: {  	_ =	sfence.sel $0xFFFF  }
0x4c: {  	[dreg:$0x0] =	wrdreg $0xFFFFFFFF;
	(pc) =	sbr.abs _section_cstart, $3  }
0x4d: {  	[dreg:$0x1] =	wrdreg $0xFFFFFFFF  }
0x4e: {  	_ =	task.clear_ibuf [dreg:s23], $0x2FFFF;
	_ =	strace $0x9FFFFFFF  }
0x4f: {  	(tm) =	ssettm $0x7FFFFFFF  }
tec
execute0_lowered:
.L_overlay_start_1:
0x0: {  	(tag) =	ssettag $0x1  }
0x1: {  	s0 =	srdreg.scid;
	s5 =	rddreg [dreg:$0x0]  }
0x2: {  	s3 =	rddreg [dreg:$0x1];
	s1 =	sshll.u32 s0, $0x4  }
0x3: {  	s31 =	simm.s32 $0x2;
	s0 =	stileid.u32;
	s1 =	sand.u32 $0x10, s1  }
0x4: {  	s12 =	simm.s32 $0x0;
	p0 =	por $0x0, $0x0;
	s1 =	sor.u32 s0, s1  }
0x5: {  	s8 =	simm.s32 $0x61C00;
	s13 =	simm.s32 $0x0;
	s2 =	sshll.u32 s1, $0x7  }
.Ltmp0:
0x6: {  	s9 =	simm.s32 $0x0;
	s4 =	ssub.s32 $0xC300, s2;
	(pc) =	sbr.rel .LBB1_1-.Ltmp0, $4  }
0x7: {  	s11 =	simm.s32 $0x0;
	s1 =	rddreg [dreg:$0x2];
	s6 =	sshrl.u32 s4, $0xC  }
0x8: {  	_ =	strace $0x8000004D;
	s4 =	simm.s32 $0x1;
	s7 =	smul.u32 $0x9, s6  }
0x9: {  	s5 =	sadd.s32 $0xE00, s5;
	s10 =	smov.u32 s2;
	[sflag:s4] =	ssyncpa.u1 $0x0  }
0xa: {  	[sflag:s31] =	ssyncpa.u1 $0x0;
	s6 =	sadd.s32 $0x9, s7;
	s7 =	sadd.s32 $0xA, s7  }
.LBB1_5:
0xb: {  	s14 =	sadd.s32 $0x1, s9  }
0xc: {  	s12 =	sadd.s32 $0x1000, s10;
	s16 =	smov.u32 s10;
	p2 =	sgt.s32 s14, $0x8  }
0xd: {  	s16 =	smov.u32 @p2 s12  }
0xe: {  	s14 =	simm.s32 @p2 $0x0;
	p2 =	sgt.s32 s16, $0xC34F  }
0xf: {  	s16 =	smov.u32 @p2 s2;
	p2 =	sne.s32 s11, s7  }
.Ltmp1:
0x10: {  	p1 =	slt.u32 s11, $0x2;
	(pc) =	sbr.rel @!p2 .LBB1_6-.Ltmp1, $4  }
0x11: {  	s15 =	simm.s32 @!p1 $0x2  }
0x12: {  	s13 =	smov.u32 s10;
	p0 =	por !p0, !p0;
	_ =	swait.ge @!p1 [sflag:s15], $0x1000  }
0x13: {  	s12 =	smov.u32 s9;
	[sflag:s15] =	ssyncset.done @!p1 $0x0;
	s9 =	smov.u32 s14  }
0x14: {  	s11 =	sadd.s32 $0x1, s11;
	[sflag:s15] =	ssyncadd.s32 @!p1 $0xFFFFF000;
	s10 =	smov.u32 s16  }
.LBB1_1:
0x15: {  	p1 =	sge.u32 s11, s6  }
0x16: {  	p2 =	sgt.s32 @!p1 s10, $0xC2D0  }
0x17: {  	s14 =	smov.u32 s10;
	s16 =	smov.u32 s9;
	p2 =	por !p2, p1  }
0x18: {  	s15 =	sshra.s32 @!p1 s10, $0x1F;
	s14 =	simm.s32 @p2 $0xC2D0;
	p2 =	sgt.s32 @!p1 s9, $0xF  }
0x19: {  	s17 =	sshra.s32 @!p1 s9, $0x1F;
	s15 =	sand.u32 @!p1 s15, s10;
	p2 =	por !p2, p1  }
0x1a: {  	s14 =	ssub.s32 @!p1 s14, s15;
	s15 =	sand.u32 @!p1 s17, s9;
	s16 =	simm.s32 @p2 $0xF  }
0x1b: {  	s17 =	sshll.u32 @!p1 s9, $0x4;
	s14 =	sadd.s32 @!p1 $0xFFFF3D30, s14;
	s15 =	ssub.s32 @!p1 s16, s15  }
0x1c: {  	p2 =	sgt.s32 @!p1 s14, $0x7F;
	s14 =	sshll.u32 @!p1 s14, $0x5;
	s16 =	sadd.s32 @!p1 $0xFFFFFFF1, s15  }
0x1d: {  	s15 =	ssub.s32 @!p1 $0x10, s15;
	s14 =	ssub.s32 @!p1 $0x1000, s14;
	p3 =	sgt.s32 @!p1 s16, $0x0  }
0x1e: {  	p2 =	por !p2, p1;
	s16 =	sxor.u32 @!p1 $0xFFFFFFFF, s11;
	p3 =	por !p3, p1  }
0x1f: {  	s14 =	simm.s32 @!p2 $0x0;
	s16 =	sshll.u32 @!p1 s16, $0xC;
	s15 =	simm.s32 @!p3 $0x0  }
0x20: {  	s14 =	smul.u32 @!p1 s15, s14;
	s15 =	sand.u32 @!p1 $0x1000, s16;
	s16 =	sshll.u32 @!p1 s10, $0x8  }
0x21: {  	s18 =	simm.s32 @!p1 $0x800;
	s17 =	sand.u32 @!p1 $0xF0, s17;
	s16 =	sadd.s32 @!p1 s5, s16  }
0x22: {  	s14 =	sand.u32 @!p1 $0x3FFFFFE0, s14;
	s16 =	sadd.s32 @!p1 s17, s16;
	s17 =	simm.s32 @!p1 $0x20  }
0x23: {  	[tilespmem:s15], [sflag:$0x1] =	stream.strided.gather @!p1 [hbm4b:s16+s17], s14, s18, s17, $0x38;
	[tilespmem:$0x4040] =	vst v63  }
0x24: {  	p1 =	seq.s32 s11, $0x0  }
0x25: {  	p2 =	sge.u32 @!p1 s11, s7  }
0x26: {  	p1 =	por p1, p2  }
.Ltmp2:
0x27: {  	_ = 	snop;
	(pc) =	sbr.rel @p1 .LBB1_5-.Ltmp2, $1  }
0x28: {  	_ =	sdelay $0x3  }
0x29: {  	p1 =	sgt.s32 s13, $0xC2D0;
	s14 =	smov.u32 s13  }
0x2a: {  	s15 =	sshra.s32 s13, $0x1F;
	s16 =	smov.u32 s12;
	s17 =	sshra.s32 s12, $0x1F  }
0x2b: {  	s14 =	simm.s32 @!p1 $0xC2D0;
	s15 =	sand.u32 s15, s13;
	p1 =	sgt.s32 s12, $0xF  }
0x2c: {  	s27 =	sand.u32 s17, s12;
	s14 =	ssub.s32 s14, s15;
	s16 =	simm.s32 @!p1 $0xF  }
0x2d: {  	s14 =	sadd.s32 $0xFFFF3D30, s14;
	s15 =	ssub.s32 s16, s27  }
0x2e: {  	p1 =	sgt.s32 s14, $0x7F;
	s16 =	sadd.s32 $0xFFFFFFF1, s15;
	s14 =	sshll.u32 s14, $0x5  }
0x2f: {  	s15 =	ssub.s32 $0x10, s15;
	p2 =	sgt.s32 s16, $0x0;
	s14 =	ssub.s32 $0x1000, s14  }
0x30: {  	s15 =	simm.s32 @p2 $0x0;
	s14 =	simm.s32 @p1 $0x0  }
0x31: {  	s14 =	smul.u32 s15, s14;
	_ =	sdelay $0x1  }
0x32: {  	s15 =	simm.s32 $0x1;
	s14 =	sand.u32 $0x3FFFFFE0, s14  }
0x33: {  	s15 =	simm.s32 @!p0 $0x0;
	_ =	swait.ge [sflag:s4], s14  }
0x34: {  	s28 =	sshll.u32 s15, $0xC;
	s14 =	ssub.s32 $0x0, s14;
	[sflag:s4] =	ssyncset.done $0x0  }
0x35: {  	s18 =	sor.u32 $0x10, s28;
	[sflag:s4] =	ssyncadd.s32 s14  }
0x36: {  	s29 =	smul.u32 $0x4080, s15;
	v1 =	vld [tilespmem:s18+$0x0]  }
0x37: {  	s30 =	sand.u32 $0x1, s11;
	v0 =	vld [tilespmem:s18+$0xFFFFFFF0]  }
0x38: {  	s15 =	smul.u32 $0x4080, s30;
	s14 =	sshrl.u32 s29, $0x2  }
0x39: {  	s16 =	sor.u32 $0x2000, s14  }
0x3a: {  	s31 =	sshrl.u32 s15, $0x2;
	s15 =	sadd.s32 $0x0, s16  }
0x3b: {  	s17 =	simm.s32 $0x4;
	s14 =	sor.u32 $0x2000, s31;
	s18 =	sadd.s32 $0x20, s18;
	[tilespmem:s15+$0x810 ss:$0x81] =	vst.msk $0xffff, v1  }
.LBB1_3:
0x3c: {  	v1 =	vld [tilespmem:s18+$0x0];
	p1 =	sne.s32 s17, $0x1FC;
	[tilespmem:s15+$0x0 ss:$0x81] =	vst.msk $0xffff, v0;
	s15 =	smov.u32 s17;
	s17 =	sadd.s32 $0x4, s17  }
.Ltmp3:
0x3d: {  	v0 =	vld [tilespmem:s18+$0xFFFFFFF0];
	(pc) =	sbr.rel @p1 .LBB1_3-.Ltmp3, $4  }
0x3e: {  	_ = 	snop  }
0x3f: {  	s15 =	sshra.s32 s15, $0x2  }
0x40: {  	s15 =	sadd.s32 s15, s16  }
0x41: {  	s18 =	sadd.s32 $0x20, s18;
	[tilespmem:s15+$0x810 ss:$0x81] =	vst.msk $0xffff, v1  }
0x42: {  	s16 =	sshll.u32 s13, $0x3  }
0x43: {  	s29 =	sand.u32 $0x7F, s13;
	s16 =	sand.u32 $0xFFFFFC00, s16  }
0x44: {  	s13 =	sor.u32 s29, s16;
	s16 =	smulhi.u32 $0xA79C7B17, s16  }
0x45: {  	s17 =	smulhi.u32 $0xA79C7B17, s13;
	_ =	sdelay $0x1  }
0x46: {  	s12 =	smul.u32 $0x30E00, s12;
	s16 =	sshrl.u32 s16, $0xF;
	s17 =	sshrl.u32 s17, $0xF  }
0x47: {  	s16 =	sand.u32 $0x1F, s16;
	s17 =	smul.u32 $0xC380, s17  }
0x48: {  	s16 =	smul.u32 $0x1870, s16  }
.Ltmp4:
0x49: {  	s13 =	ssub.s32 s13, s17;
	(pc) =	sbr.rel .LBB1_5-.Ltmp4, $4  }
0x4a: {  	s12 =	sadd.s32 s3, s12;
	s17 =	sand.u32 $0x7, s13  }
0x4b: {  	s12 =	sadd.s32 s16, s12;
	s13 =	sshrl.u32 s13, $0x3;
	s30 =	sshll.u32 s17, $0x12  }
0x4c: {  	[tilespmem:s15+$0x0 ss:$0x81] =	vst.msk $0xffff, v0;
	s12 =	sadd.s32 s13, s12;
	s31 =	sor.u32 $0x400, s30  }
0x4d: {  	[hbm4b:s12+s31] =	stream.strided.scatter [tilespmem:s14], [sflag:$0x2], $0x1000, s8, s31, $0x20;
	[tilespmem:$0x4040] =	vst v63  }
.LBB1_6:
0x4e: {  	_ =	sfence.sel $0x180000  }
0x4f: {  	s2 =	simm.s32 $0x1;
	[bflag:$0x0] =	sbarrier.arrive $0xFFFF  }
0x50: {  	s31 =	simm.s32 $0x2;
	[sflag:s2] =	ssyncpa.u1 $0x1  }
0x51: {  	[sflag:s31] =	ssyncpa.u1 $0x1  }
0x52: {  	p0 =	sne.s32 s0, $0x0;
	_ =	strace $0x9000004D  }
0x53: {  	s0 =	sadd.s32 @!p0 $0x100000, s1;
	[bflag:$0x2] =	sbarrier.arrive $0xFFFF  }
0x54: {  	[sflag:s0] =	ssyncadd.tile.s32 @!p0 $0x1;
	_ =	shalt  }
.Lfunc_end1:
_tile_overlayer_lowered:
.L_overlay_start_2:
0x55: {  	(tag) =	ssettag $0x2  }
0x56: {  	s0 =	rddreg [dreg:$0x0];
	s2 =	stileid.u32  }
0x57: {  	s1 =	rddreg [dreg:$0x1];
	p0 =	sne.s32 s2, $0x0  }
0x58: {  	s3 =	rddreg [dreg:$0x2];
	[bflag:$0x3] =	sbarrier.arrive $0xFFFF;
	s2 =	simm.s32 @!p0 $0x1C01  }
0x59: {  	[timem:s3], [sflag:s2] =	dma.local @!p0 [hbm:s0], s1  }
0x5a: {  	s0 =	simm.s32 @!p0 $0x1  }
0x5b: {  	_ =	swait.ge @!p0 [sflag:s0], s1  }
0x5c: {  	s1 =	ssub.s32 @!p0 $0x0, s1;
	[sflag:s0] =	ssyncset.done @!p0 $0x0  }
0x5d: {  	[sflag:s0] =	ssyncadd.s32 @!p0 s1  }
0x5e: {  	[bflag:$0x3] =	sbarrier.arrive $0xFFFF  }
0x5f: {  	_ =	shalt  }

</sc_bundles>
